<compile_context>
chip_gen: v7x
topology: tpu7x:2x2x1
jax: 0.10.2.dev20260603
libtpu: 0.0.44.dev20260713+nightly
codegen_flags: <defaults>
</compile_context>

<pallas_src>
import jax
import jax.numpy as jnp
from jax import lax
from jax.experimental import pallas as pl
from jax.experimental.pallas import tpu as pltpu, tpu_sc as plsc

NUM_CORES = 2
NUM_SUBCORES = 16
LANES = 16
NW = NUM_CORES * NUM_SUBCORES
BATCH = 16384
EMBED_DIM = 32
B_PER_W = BATCH // NW
NBLK = B_PER_W // LANES


def _mf_body(ids_u_h, ids_i_h, eu_h, ei_h, bu_h, bi_h, gb_h, out_h,
             idx_u, idx_i, rows_u, rows_i, bu_v, bi_v, gb_v, out_v, sem):
    wid = lax.axis_index("s") * NUM_CORES + lax.axis_index("c")

    pltpu.sync_copy(ids_u_h.at[wid], idx_u)
    pltpu.sync_copy(ids_i_h.at[wid], idx_i)
    pltpu.sync_copy(gb_h, gb_v.at[pl.ds(0, 1)])

    copies = [
        pltpu.async_copy(eu_h.at[idx_u], rows_u, sem),
        pltpu.async_copy(ei_h.at[idx_i], rows_i, sem),
        pltpu.async_copy(bu_h.at[idx_u], bu_v, sem),
        pltpu.async_copy(bi_h.at[idx_i], bi_v, sem),
    ]
    for cp in copies:
        cp.wait()

    gb = gb_v[:][0]

    def blk_body(blk, carry):
        rows16 = pl.ds(blk * LANES, LANES)
        row = blk * LANES + lax.iota(jnp.int32, LANES)
        acc = bu_v[rows16] + bi_v[rows16] + gb
        for d in range(EMBED_DIM):
            dv = jnp.full((LANES,), d, jnp.int32)
            acc = acc + (plsc.load_gather(rows_u, [row, dv])
                         * plsc.load_gather(rows_i, [row, dv]))
        out_v[rows16] = acc
        return carry

    lax.fori_loop(0, NBLK, blk_body, 0)

    pltpu.sync_copy(out_v, out_h.at[pl.ds(wid * B_PER_W, B_PER_W)])


@jax.jit
def _mf(ids_u2, ids_i2, eu, ei, bu, bi, gb):
    mesh = plsc.VectorSubcoreMesh(core_axis_name="c", subcore_axis_name="s",
                                  num_cores=NUM_CORES, num_subcores=NUM_SUBCORES)
    return pl.kernel(
        _mf_body,
        out_type=jax.ShapeDtypeStruct((BATCH,), jnp.float32),
        mesh=mesh,
        scratch_types=[
            pltpu.VMEM((B_PER_W,), jnp.int32),
            pltpu.VMEM((B_PER_W,), jnp.int32),
            pltpu.VMEM((B_PER_W, EMBED_DIM), jnp.float32),
            pltpu.VMEM((B_PER_W, EMBED_DIM), jnp.float32),
            pltpu.VMEM((B_PER_W,), jnp.float32),
            pltpu.VMEM((B_PER_W,), jnp.float32),
            pltpu.VMEM((LANES,), jnp.float32),
            pltpu.VMEM((B_PER_W,), jnp.float32),
            pltpu.SemaphoreType.DMA,
        ],
        compiler_params=pltpu.CompilerParams(needs_layout_passes=False,
                                             use_tc_tiling_on_sc=False),
    )(ids_u2, ids_i2, eu, ei, bu, bi, gb)


def kernel(ids, embedding_users, embedding_items, bias_users, bias_items, global_bias):
    ids_u2 = ids[:, 0].reshape(NW, B_PER_W)
    ids_i2 = ids[:, 1].reshape(NW, B_PER_W)
    return _mf(ids_u2, ids_i2, embedding_users, embedding_items,
               bias_users.reshape(-1), bias_items.reshape(-1), global_bias)

# --- scband reference (transcript-rebuilt; emitter-appended) ---
"""Pipeline reference for scband-mf-18786186953116 (READ-ONLY COPY).

The authoritative reference and input builder live on the scoring server;
editing this copy changes nothing except your own understanding.
"""

import jax, jax.numpy as jnp
import numpy as np

NUM_USERS = 1000000
NUM_ITEMS = 1000000
EMBED_DIM = 32
BATCH = 16384


def setup_inputs(seed: int = 0) -> dict:
    key = jax.random.key(seed)
    k_ids, k_u, k_i = jax.random.split(key, 3)
    ids = jax.random.randint(k_ids, (BATCH, 2), 0, NUM_USERS, dtype=jnp.int64 if jax.config.jax_enable_x64 else jnp.int32).astype(jnp.int32)
    std = 1.0 / np.square(EMBED_DIM)
    embedding_users = jax.random.truncated_normal(k_u, -2.0, 2.0, (NUM_USERS, EMBED_DIM), dtype=jnp.float32) * std
    embedding_items = jax.random.truncated_normal(k_i, -2.0, 2.0, (NUM_ITEMS, EMBED_DIM), dtype=jnp.float32) * std
    bias_users = jnp.zeros((NUM_USERS, 1), dtype=jnp.float32)
    bias_items = jnp.zeros((NUM_ITEMS, 1), dtype=jnp.float32)
    global_bias = jnp.zeros((1,), dtype=jnp.float32)
    return {
        "ids": ids,
        "embedding_users": embedding_users,
        "embedding_items": embedding_items,
        "bias_users": bias_users,
        "bias_items": bias_items,
        "global_bias": global_bias,
    }


def reference(ids, embedding_users, embedding_items, bias_users, bias_items, global_bias):
    # MF.get_predict_op translated to jax
    user_embedding = jnp.take(embedding_users, ids[:, 0], axis=0)  # [B, D]
    item_embedding = jnp.take(embedding_items, ids[:, 1], axis=0)  # [B, D]
    user_bias = jnp.take(bias_users, ids[:, 0], axis=0)            # [B, 1]
    item_bias = jnp.take(bias_items, ids[:, 1], axis=0)            # [B, 1]
    rating = jnp.squeeze(
        jnp.sum(user_embedding * item_embedding, axis=1, keepdims=True)
        + user_bias + item_bias + global_bias
    )
    return rating

if __name__ == "__main__":
    import jax
    _d = setup_inputs()
    print(jax.jit(kernel)(*tuple(_d.values())))

</pallas_src>

<mosaic_0001>
#map = affine_map<(d0, d1) -> (0, 0)>
#map1 = affine_map<(d0, d1) -> (0)>
module attributes {stable_mosaic.version = 14 : i64} {
  func.func @_mf_body(%arg0: i32, %arg1: i32, %arg2: memref<32x512xi32, #tpu.memory_space<hbm>>, %arg3: memref<32x512xi32, #tpu.memory_space<hbm>>, %arg4: memref<1000000x32xf32, #tpu.memory_space<hbm>>, %arg5: memref<1000000x32xf32, #tpu.memory_space<hbm>>, %arg6: memref<1000000xf32, #tpu.memory_space<hbm>>, %arg7: memref<1000000xf32, #tpu.memory_space<hbm>>, %arg8: memref<1xf32, #tpu.memory_space<hbm>>, %arg9: memref<16384xf32, #tpu.memory_space<hbm>>, %arg10: memref<512xi32, #tpu.memory_space<vmem>>, %arg11: memref<512xi32, #tpu.memory_space<vmem>>, %arg12: memref<512x32xf32, #tpu.memory_space<vmem>>, %arg13: memref<512x32xf32, #tpu.memory_space<vmem>>, %arg14: memref<512xf32, #tpu.memory_space<vmem>>, %arg15: memref<512xf32, #tpu.memory_space<vmem>>, %arg16: memref<16xf32, #tpu.memory_space<vmem>>, %arg17: memref<512xf32, #tpu.memory_space<vmem>>, %arg18: memref<!tpu.dma_semaphore, #tpu.memory_space<semaphore_mem>>) attributes {dimension_semantics = [#tpu.dimension_semantics<core_parallel>, #tpu.dimension_semantics<subcore_parallel>], iteration_bounds = array<i64: 2, 16>, scalar_prefetch = 0 : i64, scratch_operands = 9 : i64, tpu.core_type = #tpu.core_type<sc_vector_subcore>, window_params = [{transform_indices = #map}, {transform_indices = #map}, {transform_indices = #map}, {transform_indices = #map}, {transform_indices = #map1}, {transform_indices = #map1}, {transform_indices = #map1}, {transform_indices = #map1}]} {
    %mul3A = arith.constant 2 : i32
    %mul3A_0 = arith.muli %arg1, %mul3A : i32
    %add3A = arith.addi %mul3A_0, %arg0 : i32
    "tpu.region"() ({
      %run_scoped3A = tpu.sem_alloc : memref<!tpu.dma_semaphore, #tpu.memory_space<semaphore_mem>>
      %dma_start3A_27 = arith.constant 0 : i32
      %dma_start3A_28 = tpu.memref_slice %arg2[%add3A, %dma_start3A_27] : memref<32x512xi32, #tpu.memory_space<hbm>> -> memref<1x512xi32, #tpu.memory_space<hbm>>
      %dma_start3A_29 = tpu.memref_squeeze %dma_start3A_28 : memref<1x512xi32, #tpu.memory_space<hbm>> -> memref<512xi32, #tpu.memory_space<hbm>>
      %dma_start3A_30 = arith.constant 0 : i32
      %dma_start3A_31 = tpu.memref_slice %arg2[%add3A, %dma_start3A_30] : memref<32x512xi32, #tpu.memory_space<hbm>> -> memref<1x512xi32, #tpu.memory_space<hbm>>
      %dma_start3A_32 = tpu.memref_squeeze %dma_start3A_31 : memref<1x512xi32, #tpu.memory_space<hbm>> -> memref<512xi32, #tpu.memory_space<hbm>>
      tpu.enqueue_dma source(%dma_start3A_32 : memref<512xi32, #tpu.memory_space<hbm>>) target(%arg10 : memref<512xi32, #tpu.memory_space<vmem>>) target_semaphore(%run_scoped3A : memref<!tpu.dma_semaphore, #tpu.memory_space<semaphore_mem>>)
      %dma_wait3A_33 = arith.constant 0 : i32
      %dma_wait3A_34 = tpu.memref_slice %arg2[%add3A, %dma_wait3A_33] : memref<32x512xi32, #tpu.memory_space<hbm>> -> memref<1x512xi32, #tpu.memory_space<hbm>>
      %dma_wait3A_35 = tpu.memref_squeeze %dma_wait3A_34 : memref<1x512xi32, #tpu.memory_space<hbm>> -> memref<512xi32, #tpu.memory_space<hbm>>
      %dma_wait3A_36 = arith.constant 0 : i32
      %dma_wait3A_37 = tpu.memref_slice %arg2[%add3A, %dma_wait3A_36] : memref<32x512xi32, #tpu.memory_space<hbm>> -> memref<1x512xi32, #tpu.memory_space<hbm>>
      %dma_wait3A_38 = tpu.memref_squeeze %dma_wait3A_37 : memref<1x512xi32, #tpu.memory_space<hbm>> -> memref<512xi32, #tpu.memory_space<hbm>>
      tpu.wait_dma2 semaphore(%run_scoped3A : memref<!tpu.dma_semaphore, #tpu.memory_space<semaphore_mem>>) src(%dma_wait3A_38 : memref<512xi32, #tpu.memory_space<hbm>>) dst(%arg10 : memref<512xi32, #tpu.memory_space<vmem>>)
      tpu.yield
    }) : () -> ()
    "tpu.region"() ({
      %run_scoped3A = tpu.sem_alloc : memref<!tpu.dma_semaphore, #tpu.memory_space<semaphore_mem>>
      %dma_start3A_27 = arith.constant 0 : i32
      %dma_start3A_28 = tpu.memref_slice %arg3[%add3A, %dma_start3A_27] : memref<32x512xi32, #tpu.memory_space<hbm>> -> memref<1x512xi32, #tpu.memory_space<hbm>>
      %dma_start3A_29 = tpu.memref_squeeze %dma_start3A_28 : memref<1x512xi32, #tpu.memory_space<hbm>> -> memref<512xi32, #tpu.memory_space<hbm>>
      %dma_start3A_30 = arith.constant 0 : i32
      %dma_start3A_31 = tpu.memref_slice %arg3[%add3A, %dma_start3A_30] : memref<32x512xi32, #tpu.memory_space<hbm>> -> memref<1x512xi32, #tpu.memory_space<hbm>>
      %dma_start3A_32 = tpu.memref_squeeze %dma_start3A_31 : memref<1x512xi32, #tpu.memory_space<hbm>> -> memref<512xi32, #tpu.memory_space<hbm>>
      tpu.enqueue_dma source(%dma_start3A_32 : memref<512xi32, #tpu.memory_space<hbm>>) target(%arg11 : memref<512xi32, #tpu.memory_space<vmem>>) target_semaphore(%run_scoped3A : memref<!tpu.dma_semaphore, #tpu.memory_space<semaphore_mem>>)
      %dma_wait3A_33 = arith.constant 0 : i32
      %dma_wait3A_34 = tpu.memref_slice %arg3[%add3A, %dma_wait3A_33] : memref<32x512xi32, #tpu.memory_space<hbm>> -> memref<1x512xi32, #tpu.memory_space<hbm>>
      %dma_wait3A_35 = tpu.memref_squeeze %dma_wait3A_34 : memref<1x512xi32, #tpu.memory_space<hbm>> -> memref<512xi32, #tpu.memory_space<hbm>>
      %dma_wait3A_36 = arith.constant 0 : i32
      %dma_wait3A_37 = tpu.memref_slice %arg3[%add3A, %dma_wait3A_36] : memref<32x512xi32, #tpu.memory_space<hbm>> -> memref<1x512xi32, #tpu.memory_space<hbm>>
      %dma_wait3A_38 = tpu.memref_squeeze %dma_wait3A_37 : memref<1x512xi32, #tpu.memory_space<hbm>> -> memref<512xi32, #tpu.memory_space<hbm>>
      tpu.wait_dma2 semaphore(%run_scoped3A : memref<!tpu.dma_semaphore, #tpu.memory_space<semaphore_mem>>) src(%dma_wait3A_38 : memref<512xi32, #tpu.memory_space<hbm>>) dst(%arg11 : memref<512xi32, #tpu.memory_space<vmem>>)
      tpu.yield
    }) : () -> ()
    "tpu.region"() ({
      %run_scoped3A = tpu.sem_alloc : memref<!tpu.dma_semaphore, #tpu.memory_space<semaphore_mem>>
      %dma_start3A_27 = arith.constant 0 : i32
      %dma_start3A_28 = tpu.memref_slice %arg16[%dma_start3A_27] : memref<16xf32, #tpu.memory_space<vmem>> -> memref<1xf32, #tpu.memory_space<vmem>>
      %dma_start3A_29 = arith.constant 0 : i32
      %dma_start3A_30 = tpu.memref_slice %arg16[%dma_start3A_29] : memref<16xf32, #tpu.memory_space<vmem>> -> memref<1xf32, #tpu.memory_space<vmem>>
      tpu.enqueue_dma source(%arg8 : memref<1xf32, #tpu.memory_space<hbm>>) target(%dma_start3A_30 : memref<1xf32, #tpu.memory_space<vmem>>) target_semaphore(%run_scoped3A : memref<!tpu.dma_semaphore, #tpu.memory_space<semaphore_mem>>)
      %dma_wait3A_31 = arith.constant 0 : i32
      %dma_wait3A_32 = tpu.memref_slice %arg16[%dma_wait3A_31] : memref<16xf32, #tpu.memory_space<vmem>> -> memref<1xf32, #tpu.memory_space<vmem>>
      %dma_wait3A_33 = arith.constant 0 : i32
      %dma_wait3A_34 = tpu.memref_slice %arg16[%dma_wait3A_33] : memref<16xf32, #tpu.memory_space<vmem>> -> memref<1xf32, #tpu.memory_space<vmem>>
      tpu.wait_dma2 semaphore(%run_scoped3A : memref<!tpu.dma_semaphore, #tpu.memory_space<semaphore_mem>>) src(%arg8 : memref<1xf32, #tpu.memory_space<hbm>>) dst(%dma_wait3A_34 : memref<1xf32, #tpu.memory_space<vmem>>)
      tpu.yield
    }) : () -> ()
    %dma_start3A = arith.constant 0 : i32
    %dma_start3A_1 = arith.constant 0 : i32
    %dma_start3A_2 = tpu.memref_slice %arg4[%dma_start3A, %dma_start3A_1] : memref<1000000x32xf32, #tpu.memory_space<hbm>> -> memref<1000000x32xf32, #tpu.memory_space<hbm>>
    tpu.enqueue_indirect_dma source(%dma_start3A_2 : memref<1000000x32xf32, #tpu.memory_space<hbm>>) target(%arg12 : memref<512x32xf32, #tpu.memory_space<vmem>>) offsets(%arg10 : memref<512xi32, #tpu.memory_space<vmem>>) semaphore(%arg18 : memref<!tpu.dma_semaphore, #tpu.memory_space<semaphore_mem>>)
    %dma_start3A_3 = arith.constant 0 : i32
    %dma_start3A_4 = arith.constant 0 : i32
    %dma_start3A_5 = tpu.memref_slice %arg5[%dma_start3A_3, %dma_start3A_4] : memref<1000000x32xf32, #tpu.memory_space<hbm>> -> memref<1000000x32xf32, #tpu.memory_space<hbm>>
    tpu.enqueue_indirect_dma source(%dma_start3A_5 : memref<1000000x32xf32, #tpu.memory_space<hbm>>) target(%arg13 : memref<512x32xf32, #tpu.memory_space<vmem>>) offsets(%arg11 : memref<512xi32, #tpu.memory_space<vmem>>) semaphore(%arg18 : memref<!tpu.dma_semaphore, #tpu.memory_space<semaphore_mem>>)
    %dma_start3A_6 = arith.constant 0 : i32
    %dma_start3A_7 = tpu.memref_slice %arg6[%dma_start3A_6] : memref<1000000xf32, #tpu.memory_space<hbm>> -> memref<1000000xf32, #tpu.memory_space<hbm>>
    tpu.enqueue_indirect_dma source(%dma_start3A_7 : memref<1000000xf32, #tpu.memory_space<hbm>>) target(%arg14 : memref<512xf32, #tpu.memory_space<vmem>>) offsets(%arg10 : memref<512xi32, #tpu.memory_space<vmem>>) semaphore(%arg18 : memref<!tpu.dma_semaphore, #tpu.memory_space<semaphore_mem>>)
    %dma_start3A_8 = arith.constant 0 : i32
    %dma_start3A_9 = tpu.memref_slice %arg7[%dma_start3A_8] : memref<1000000xf32, #tpu.memory_space<hbm>> -> memref<1000000xf32, #tpu.memory_space<hbm>>
    tpu.enqueue_indirect_dma source(%dma_start3A_9 : memref<1000000xf32, #tpu.memory_space<hbm>>) target(%arg15 : memref<512xf32, #tpu.memory_space<vmem>>) offsets(%arg11 : memref<512xi32, #tpu.memory_space<vmem>>) semaphore(%arg18 : memref<!tpu.dma_semaphore, #tpu.memory_space<semaphore_mem>>)
    %dma_wait3A = arith.constant 0 : i32
    %dma_wait3A_10 = arith.constant 0 : i32
    %dma_wait3A_11 = tpu.memref_slice %arg4[%dma_wait3A, %dma_wait3A_10] : memref<1000000x32xf32, #tpu.memory_space<hbm>> -> memref<1000000x32xf32, #tpu.memory_space<hbm>>
    tpu.wait_indirect_dma semaphore(%arg18 : memref<!tpu.dma_semaphore, #tpu.memory_space<semaphore_mem>>) src(%dma_wait3A_11 : memref<1000000x32xf32, #tpu.memory_space<hbm>>) dst(%arg12 : memref<512x32xf32, #tpu.memory_space<vmem>>)
    %dma_wait3A_12 = arith.constant 0 : i32
    %dma_wait3A_13 = arith.constant 0 : i32
    %dma_wait3A_14 = tpu.memref_slice %arg5[%dma_wait3A_12, %dma_wait3A_13] : memref<1000000x32xf32, #tpu.memory_space<hbm>> -> memref<1000000x32xf32, #tpu.memory_space<hbm>>
    tpu.wait_indirect_dma semaphore(%arg18 : memref<!tpu.dma_semaphore, #tpu.memory_space<semaphore_mem>>) src(%dma_wait3A_14 : memref<1000000x32xf32, #tpu.memory_space<hbm>>) dst(%arg13 : memref<512x32xf32, #tpu.memory_space<vmem>>)
    %dma_wait3A_15 = arith.constant 0 : i32
    %dma_wait3A_16 = tpu.memref_slice %arg6[%dma_wait3A_15] : memref<1000000xf32, #tpu.memory_space<hbm>> -> memref<1000000xf32, #tpu.memory_space<hbm>>
    tpu.wait_indirect_dma semaphore(%arg18 : memref<!tpu.dma_semaphore, #tpu.memory_space<semaphore_mem>>) src(%dma_wait3A_16 : memref<1000000xf32, #tpu.memory_space<hbm>>) dst(%arg14 : memref<512xf32, #tpu.memory_space<vmem>>)
    %dma_wait3A_17 = arith.constant 0 : i32
    %dma_wait3A_18 = tpu.memref_slice %arg7[%dma_wait3A_17] : memref<1000000xf32, #tpu.memory_space<hbm>> -> memref<1000000xf32, #tpu.memory_space<hbm>>
    tpu.wait_indirect_dma semaphore(%arg18 : memref<!tpu.dma_semaphore, #tpu.memory_space<semaphore_mem>>) src(%dma_wait3A_18 : memref<1000000xf32, #tpu.memory_space<hbm>>) dst(%arg15 : memref<512xf32, #tpu.memory_space<vmem>>)
    %get3A = arith.constant 0 : index
    %get3A_19 = tpu.vector_load %arg16[%get3A] {strides = array<i32>} : memref<16xf32, #tpu.memory_space<vmem>>, vector<16xf32>,
    %slice3A = vector.extract_strided_slice %get3A_19 {offsets = [0], sizes = [1], strides = [1]} : vector<16xf32> to vector<1xf32>
    %squeeze3A = vector.extract %slice3A[0] : f32 from vector<1xf32>
    %scan3A = arith.constant 0 : i32
    %scan3A_20 = arith.constant 0 : i32
    %scan3A_21 = arith.constant 32 : i32
    %scan3A_22 = arith.addi %scan3A_20, %scan3A_21 : i32
    %scan3A_23 = arith.constant 1 : i32
    scf.for %scan3A_27 = %scan3A_20 to %scan3A_22 step %scan3A_23  : i32 {
      %mul3A_28 = arith.constant 16 : i32
      %mul3A_29 = arith.muli %scan3A_27, %mul3A_28 : i32
      %mul3A_30 = arith.constant 16 : i32
      %mul3A_31 = arith.muli %scan3A_27, %mul3A_30 : i32
      %iota3A = tpu.iota {dimensions = array<i32: 0>} : vector<16xi32>
      %add3A_32 = vector.broadcast %mul3A_31 : i32 to vector<16xi32>
      %add3A_33 = arith.addi %add3A_32, %iota3A : vector<16xi32>
      %get3A_34 = arith.index_cast %mul3A_29 : i32 to index
      %get3A_35 = tpu.vector_load %arg14[%get3A_34] {strides = array<i32>} : memref<512xf32, #tpu.memory_space<vmem>>, vector<16xf32>,
      %get3A_36 = arith.index_cast %mul3A_29 : i32 to index
      %get3A_37 = tpu.vector_load %arg15[%get3A_36] {strides = array<i32>} : memref<512xf32, #tpu.memory_space<vmem>>, vector<16xf32>,
      %add3A_38 = arith.addf %get3A_35, %get3A_37 : vector<16xf32>
      %add3A_39 = vector.broadcast %squeeze3A : f32 to vector<16xf32>
      %add3A_40 = arith.addf %add3A_38, %add3A_39 : vector<16xf32>
      %broadcast_in_dim3A = arith.constant 0 : i32
      %broadcast_in_dim3A_41 = vector.broadcast %broadcast_in_dim3A : i32 to vector<16xi32>
      %gather3A = tpu.vector_load_idx %arg12[%add3A_33, %broadcast_in_dim3A_41] : memref<512x32xf32, #tpu.memory_space<vmem>>[vector<16xi32>, vector<16xi32>], vector<16xf32>,
      %gather3A_42 = tpu.vector_load_idx %arg13[%add3A_33, %broadcast_in_dim3A_41] : memref<512x32xf32, #tpu.memory_space<vmem>>[vector<16xi32>, vector<16xi32>], vector<16xf32>,
      %mul3A_43 = arith.mulf %gather3A, %gather3A_42 : vector<16xf32>
      %add3A_44 = arith.addf %add3A_40, %mul3A_43 : vector<16xf32>
      %broadcast_in_dim3A_45 = arith.constant 1 : i32
      %broadcast_in_dim3A_46 = vector.broadcast %broadcast_in_dim3A_45 : i32 to vector<16xi32>
      %gather3A_47 = tpu.vector_load_idx %arg12[%add3A_33, %broadcast_in_dim3A_46] : memref<512x32xf32, #tpu.memory_space<vmem>>[vector<16xi32>, vector<16xi32>], vector<16xf32>,
      %gather3A_48 = tpu.vector_load_idx %arg13[%add3A_33, %broadcast_in_dim3A_46] : memref<512x32xf32, #tpu.memory_space<vmem>>[vector<16xi32>, vector<16xi32>], vector<16xf32>,
      %mul3A_49 = arith.mulf %gather3A_47, %gather3A_48 : vector<16xf32>
      %add3A_50 = arith.addf %add3A_44, %mul3A_49 : vector<16xf32>
      %broadcast_in_dim3A_51 = arith.constant 2 : i32
      %broadcast_in_dim3A_52 = vector.broadcast %broadcast_in_dim3A_51 : i32 to vector<16xi32>
      %gather3A_53 = tpu.vector_load_idx %arg12[%add3A_33, %broadcast_in_dim3A_52] : memref<512x32xf32, #tpu.memory_space<vmem>>[vector<16xi32>, vector<16xi32>], vector<16xf32>,
      %gather3A_54 = tpu.vector_load_idx %arg13[%add3A_33, %broadcast_in_dim3A_52] : memref<512x32xf32, #tpu.memory_space<vmem>>[vector<16xi32>, vector<16xi32>], vector<16xf32>,
      %mul3A_55 = arith.mulf %gather3A_53, %gather3A_54 : vector<16xf32>
      %add3A_56 = arith.addf %add3A_50, %mul3A_55 : vector<16xf32>
      %broadcast_in_dim3A_57 = arith.constant 3 : i32
      %broadcast_in_dim3A_58 = vector.broadcast %broadcast_in_dim3A_57 : i32 to vector<16xi32>
      %gather3A_59 = tpu.vector_load_idx %arg12[%add3A_33, %broadcast_in_dim3A_58] : memref<512x32xf32, #tpu.memory_space<vmem>>[vector<16xi32>, vector<16xi32>], vector<16xf32>,
      %gather3A_60 = tpu.vector_load_idx %arg13[%add3A_33, %broadcast_in_dim3A_58] : memref<512x32xf32, #tpu.memory_space<vmem>>[vector<16xi32>, vector<16xi32>], vector<16xf32>,
      %mul3A_61 = arith.mulf %gather3A_59, %gather3A_60 : vector<16xf32>
      %add3A_62 = arith.addf %add3A_56, %mul3A_61 : vector<16xf32>
      %broadcast_in_dim3A_63 = arith.constant 4 : i32
      %broadcast_in_dim3A_64 = vector.broadcast %broadcast_in_dim3A_63 : i32 to vector<16xi32>
      %gather3A_65 = tpu.vector_load_idx %arg12[%add3A_33, %broadcast_in_dim3A_64] : memref<512x32xf32, #tpu.memory_space<vmem>>[vector<16xi32>, vector<16xi32>], vector<16xf32>,
      %gather3A_66 = tpu.vector_load_idx %arg13[%add3A_33, %broadcast_in_dim3A_64] : memref<512x32xf32, #tpu.memory_space<vmem>>[vector<16xi32>, vector<16xi32>], vector<16xf32>,
      %mul3A_67 = arith.mulf %gather3A_65, %gather3A_66 : vector<16xf32>
      %add3A_68 = arith.addf %add3A_62, %mul3A_67 : vector<16xf32>
      %broadcast_in_dim3A_69 = arith.constant 5 : i32
      %broadcast_in_dim3A_70 = vector.broadcast %broadcast_in_dim3A_69 : i32 to vector<16xi32>
      %gather3A_71 = tpu.vector_load_idx %arg12[%add3A_33, %broadcast_in_dim3A_70] : memref<512x32xf32, #tpu.memory_space<vmem>>[vector<16xi32>, vector<16xi32>], vector<16xf32>,
      %gather3A_72 = tpu.vector_load_idx %arg13[%add3A_33, %broadcast_in_dim3A_70] : memref<512x32xf32, #tpu.memory_space<vmem>>[vector<16xi32>, vector<16xi32>], vector<16xf32>,
      %mul3A_73 = arith.mulf %gather3A_71, %gather3A_72 : vector<16xf32>
      %add3A_74 = arith.addf %add3A_68, %mul3A_73 : vector<16xf32>
      %broadcast_in_dim3A_75 = arith.constant 6 : i32
      %broadcast_in_dim3A_76 = vector.broadcast %broadcast_in_dim3A_75 : i32 to vector<16xi32>
      %gather3A_77 = tpu.vector_load_idx %arg12[%add3A_33, %broadcast_in_dim3A_76] : memref<512x32xf32, #tpu.memory_space<vmem>>[vector<16xi32>, vector<16xi32>], vector<16xf32>,
      %gather3A_78 = tpu.vector_load_idx %arg13[%add3A_33, %broadcast_in_dim3A_76] : memref<512x32xf32, #tpu.memory_space<vmem>>[vector<16xi32>, vector<16xi32>], vector<16xf32>,
      %mul3A_79 = arith.mulf %gather3A_77, %gather3A_78 : vector<16xf32>
      %add3A_80 = arith.addf %add3A_74, %mul3A_79 : vector<16xf32>
      %broadcast_in_dim3A_81 = arith.constant 7 : i32
      %broadcast_in_dim3A_82 = vector.broadcast %broadcast_in_dim3A_81 : i32 to vector<16xi32>
      %gather3A_83 = tpu.vector_load_idx %arg12[%add3A_33, %broadcast_in_dim3A_82] : memref<512x32xf32, #tpu.memory_space<vmem>>[vector<16xi32>, vector<16xi32>], vector<16xf32>,
      %gather3A_84 = tpu.vector_load_idx %arg13[%add3A_33, %broadcast_in_dim3A_82] : memref<512x32xf32, #tpu.memory_space<vmem>>[vector<16xi32>, vector<16xi32>], vector<16xf32>,
      %mul3A_85 = arith.mulf %gather3A_83, %gather3A_84 : vector<16xf32>
      %add3A_86 = arith.addf %add3A_80, %mul3A_85 : vector<16xf32>
      %broadcast_in_dim3A_87 = arith.constant 8 : i32
      %broadcast_in_dim3A_88 = vector.broadcast %broadcast_in_dim3A_87 : i32 to vector<16xi32>
      %gather3A_89 = tpu.vector_load_idx %arg12[%add3A_33, %broadcast_in_dim3A_88] : memref<512x32xf32, #tpu.memory_space<vmem>>[vector<16xi32>, vector<16xi32>], vector<16xf32>,
      %gather3A_90 = tpu.vector_load_idx %arg13[%add3A_33, %broadcast_in_dim3A_88] : memref<512x32xf32, #tpu.memory_space<vmem>>[vector<16xi32>, vector<16xi32>], vector<16xf32>,
      %mul3A_91 = arith.mulf %gather3A_89, %gather3A_90 : vector<16xf32>
      %add3A_92 = arith.addf %add3A_86, %mul3A_91 : vector<16xf32>
      %broadcast_in_dim3A_93 = arith.constant 9 : i32
      %broadcast_in_dim3A_94 = vector.broadcast %broadcast_in_dim3A_93 : i32 to vector<16xi32>
      %gather3A_95 = tpu.vector_load_idx %arg12[%add3A_33, %broadcast_in_dim3A_94] : memref<512x32xf32, #tpu.memory_space<vmem>>[vector<16xi32>, vector<16xi32>], vector<16xf32>,
      %gather3A_96 = tpu.vector_load_idx %arg13[%add3A_33, %broadcast_in_dim3A_94] : memref<512x32xf32, #tpu.memory_space<vmem>>[vector<16xi32>, vector<16xi32>], vector<16xf32>,
      %mul3A_97 = arith.mulf %gather3A_95, %gather3A_96 : vector<16xf32>
      %add3A_98 = arith.addf %add3A_92, %mul3A_97 : vector<16xf32>
      %broadcast_in_dim3A_99 = arith.constant 10 : i32
      %broadcast_in_dim3A_100 = vector.broadcast %broadcast_in_dim3A_99 : i32 to vector<16xi32>
      %gather3A_101 = tpu.vector_load_idx %arg12[%add3A_33, %broadcast_in_dim3A_100] : memref<512x32xf32, #tpu.memory_space<vmem>>[vector<16xi32>, vector<16xi32>], vector<16xf32>,
      %gather3A_102 = tpu.vector_load_idx %arg13[%add3A_33, %broadcast_in_dim3A_100] : memref<512x32xf32, #tpu.memory_space<vmem>>[vector<16xi32>, vector<16xi32>], vector<16xf32>,
      %mul3A_103 = arith.mulf %gather3A_101, %gather3A_102 : vector<16xf32>
      %add3A_104 = arith.addf %add3A_98, %mul3A_103 : vector<16xf32>
      %broadcast_in_dim3A_105 = arith.constant 11 : i32
      %broadcast_in_dim3A_106 = vector.broadcast %broadcast_in_dim3A_105 : i32 to vector<16xi32>
      %gather3A_107 = tpu.vector_load_idx %arg12[%add3A_33, %broadcast_in_dim3A_106] : memref<512x32xf32, #tpu.memory_space<vmem>>[vector<16xi32>, vector<16xi32>], vector<16xf32>,
      %gather3A_108 = tpu.vector_load_idx %arg13[%add3A_33, %broadcast_in_dim3A_106] : memref<512x32xf32, #tpu.memory_space<vmem>>[vector<16xi32>, vector<16xi32>], vector<16xf32>,
      %mul3A_109 = arith.mulf %gather3A_107, %gather3A_108 : vector<16xf32>
      %add3A_110 = arith.addf %add3A_104, %mul3A_109 : vector<16xf32>
      %broadcast_in_dim3A_111 = arith.constant 12 : i32
      %broadcast_in_dim3A_112 = vector.broadcast %broadcast_in_dim3A_111 : i32 to vector<16xi32>
      %gather3A_113 = tpu.vector_load_idx %arg12[%add3A_33, %broadcast_in_dim3A_112] : memref<512x32xf32, #tpu.memory_space<vmem>>[vector<16xi32>, vector<16xi32>], vector<16xf32>,
      %gather3A_114 = tpu.vector_load_idx %arg13[%add3A_33, %broadcast_in_dim3A_112] : memref<512x32xf32, #tpu.memory_space<vmem>>[vector<16xi32>, vector<16xi32>], vector<16xf32>,
      %mul3A_115 = arith.mulf %gather3A_113, %gather3A_114 : vector<16xf32>
      %add3A_116 = arith.addf %add3A_110, %mul3A_115 : vector<16xf32>
      %broadcast_in_dim3A_117 = arith.constant 13 : i32
      %broadcast_in_dim3A_118 = vector.broadcast %broadcast_in_dim3A_117 : i32 to vector<16xi32>
      %gather3A_119 = tpu.vector_load_idx %arg12[%add3A_33, %broadcast_in_dim3A_118] : memref<512x32xf32, #tpu.memory_space<vmem>>[vector<16xi32>, vector<16xi32>], vector<16xf32>,
      %gather3A_120 = tpu.vector_load_idx %arg13[%add3A_33, %broadcast_in_dim3A_118] : memref<512x32xf32, #tpu.memory_space<vmem>>[vector<16xi32>, vector<16xi32>], vector<16xf32>,
      %mul3A_121 = arith.mulf %gather3A_119, %gather3A_120 : vector<16xf32>
      %add3A_122 = arith.addf %add3A_116, %mul3A_121 : vector<16xf32>
      %broadcast_in_dim3A_123 = arith.constant 14 : i32
      %broadcast_in_dim3A_124 = vector.broadcast %broadcast_in_dim3A_123 : i32 to vector<16xi32>
      %gather3A_125 = tpu.vector_load_idx %arg12[%add3A_33, %broadcast_in_dim3A_124] : memref<512x32xf32, #tpu.memory_space<vmem>>[vector<16xi32>, vector<16xi32>], vector<16xf32>,
      %gather3A_126 = tpu.vector_load_idx %arg13[%add3A_33, %broadcast_in_dim3A_124] : memref<512x32xf32, #tpu.memory_space<vmem>>[vector<16xi32>, vector<16xi32>], vector<16xf32>,
      %mul3A_127 = arith.mulf %gather3A_125, %gather3A_126 : vector<16xf32>
      %add3A_128 = arith.addf %add3A_122, %mul3A_127 : vector<16xf32>
      %broadcast_in_dim3A_129 = arith.constant 15 : i32
      %broadcast_in_dim3A_130 = vector.broadcast %broadcast_in_dim3A_129 : i32 to vector<16xi32>
      %gather3A_131 = tpu.vector_load_idx %arg12[%add3A_33, %broadcast_in_dim3A_130] : memref<512x32xf32, #tpu.memory_space<vmem>>[vector<16xi32>, vector<16xi32>], vector<16xf32>,
      %gather3A_132 = tpu.vector_load_idx %arg13[%add3A_33, %broadcast_in_dim3A_130] : memref<512x32xf32, #tpu.memory_space<vmem>>[vector<16xi32>, vector<16xi32>], vector<16xf32>,
      %mul3A_133 = arith.mulf %gather3A_131, %gather3A_132 : vector<16xf32>
      %add3A_134 = arith.addf %add3A_128, %mul3A_133 : vector<16xf32>
      %broadcast_in_dim3A_135 = arith.constant 16 : i32
      %broadcast_in_dim3A_136 = vector.broadcast %broadcast_in_dim3A_135 : i32 to vector<16xi32>
      %gather3A_137 = tpu.vector_load_idx %arg12[%add3A_33, %broadcast_in_dim3A_136] : memref<512x32xf32, #tpu.memory_space<vmem>>[vector<16xi32>, vector<16xi32>], vector<16xf32>,
      %gather3A_138 = tpu.vector_load_idx %arg13[%add3A_33, %broadcast_in_dim3A_136] : memref<512x32xf32, #tpu.memory_space<vmem>>[vector<16xi32>, vector<16xi32>], vector<16xf32>,
      %mul3A_139 = arith.mulf %gather3A_137, %gather3A_138 : vector<16xf32>
      %add3A_140 = arith.addf %add3A_134, %mul3A_139 : vector<16xf32>
      %broadcast_in_dim3A_141 = arith.constant 17 : i32
      %broadcast_in_dim3A_142 = vector.broadcast %broadcast_in_dim3A_141 : i32 to vector<16xi32>
      %gather3A_143 = tpu.vector_load_idx %arg12[%add3A_33, %broadcast_in_dim3A_142] : memref<512x32xf32, #tpu.memory_space<vmem>>[vector<16xi32>, vector<16xi32>], vector<16xf32>,
      %gather3A_144 = tpu.vector_load_idx %arg13[%add3A_33, %broadcast_in_dim3A_142] : memref<512x32xf32, #tpu.memory_space<vmem>>[vector<16xi32>, vector<16xi32>], vector<16xf32>,
      %mul3A_145 = arith.mulf %gather3A_143, %gather3A_144 : vector<16xf32>
      %add3A_146 = arith.addf %add3A_140, %mul3A_145 : vector<16xf32>
      %broadcast_in_dim3A_147 = arith.constant 18 : i32
      %broadcast_in_dim3A_148 = vector.broadcast %broadcast_in_dim3A_147 : i32 to vector<16xi32>
      %gather3A_149 = tpu.vector_load_idx %arg12[%add3A_33, %broadcast_in_dim3A_148] : memref<512x32xf32, #tpu.memory_space<vmem>>[vector<16xi32>, vector<16xi32>], vector<16xf32>,
      %gather3A_150 = tpu.vector_load_idx %arg13[%add3A_33, %broadcast_in_dim3A_148] : memref<512x32xf32, #tpu.memory_space<vmem>>[vector<16xi32>, vector<16xi32>], vector<16xf32>,
      %mul3A_151 = arith.mulf %gather3A_149, %gather3A_150 : vector<16xf32>
      %add3A_152 = arith.addf %add3A_146, %mul3A_151 : vector<16xf32>
      %broadcast_in_dim3A_153 = arith.constant 19 : i32
      %broadcast_in_dim3A_154 = vector.broadcast %broadcast_in_dim3A_153 : i32 to vector<16xi32>
      %gather3A_155 = tpu.vector_load_idx %arg12[%add3A_33, %broadcast_in_dim3A_154] : memref<512x32xf32, #tpu.memory_space<vmem>>[vector<16xi32>, vector<16xi32>], vector<16xf32>,
      %gather3A_156 = tpu.vector_load_idx %arg13[%add3A_33, %broadcast_in_dim3A_154] : memref<512x32xf32, #tpu.memory_space<vmem>>[vector<16xi32>, vector<16xi32>], vector<16xf32>,
      %mul3A_157 = arith.mulf %gather3A_155, %gather3A_156 : vector<16xf32>
      %add3A_158 = arith.addf %add3A_152, %mul3A_157 : vector<16xf32>
      %broadcast_in_dim3A_159 = arith.constant 20 : i32
      %broadcast_in_dim3A_160 = vector.broadcast %broadcast_in_dim3A_159 : i32 to vector<16xi32>
      %gather3A_161 = tpu.vector_load_idx %arg12[%add3A_33, %broadcast_in_dim3A_160] : memref<512x32xf32, #tpu.memory_space<vmem>>[vector<16xi32>, vector<16xi32>], vector<16xf32>,
      %gather3A_162 = tpu.vector_load_idx %arg13[%add3A_33, %broadcast_in_dim3A_160] : memref<512x32xf32, #tpu.memory_space<vmem>>[vector<16xi32>, vector<16xi32>], vector<16xf32>,
      %mul3A_163 = arith.mulf %gather3A_161, %gather3A_162 : vector<16xf32>
      %add3A_164 = arith.addf %add3A_158, %mul3A_163 : vector<16xf32>
      %broadcast_in_dim3A_165 = arith.constant 21 : i32
      %broadcast_in_dim3A_166 = vector.broadcast %broadcast_in_dim3A_165 : i32 to vector<16xi32>
      %gather3A_167 = tpu.vector_load_idx %arg12[%add3A_33, %broadcast_in_dim3A_166] : memref<512x32xf32, #tpu.memory_space<vmem>>[vector<16xi32>, vector<16xi32>], vector<16xf32>,
      %gather3A_168 = tpu.vector_load_idx %arg13[%add3A_33, %broadcast_in_dim3A_166] : memref<512x32xf32, #tpu.memory_space<vmem>>[vector<16xi32>, vector<16xi32>], vector<16xf32>,
      %mul3A_169 = arith.mulf %gather3A_167, %gather3A_168 : vector<16xf32>
      %add3A_170 = arith.addf %add3A_164, %mul3A_169 : vector<16xf32>
      %broadcast_in_dim3A_171 = arith.constant 22 : i32
      %broadcast_in_dim3A_172 = vector.broadcast %broadcast_in_dim3A_171 : i32 to vector<16xi32>
      %gather3A_173 = tpu.vector_load_idx %arg12[%add3A_33, %broadcast_in_dim3A_172] : memref<512x32xf32, #tpu.memory_space<vmem>>[vector<16xi32>, vector<16xi32>], vector<16xf32>,
      %gather3A_174 = tpu.vector_load_idx %arg13[%add3A_33, %broadcast_in_dim3A_172] : memref<512x32xf32, #tpu.memory_space<vmem>>[vector<16xi32>, vector<16xi32>], vector<16xf32>,
      %mul3A_175 = arith.mulf %gather3A_173, %gather3A_174 : vector<16xf32>
      %add3A_176 = arith.addf %add3A_170, %mul3A_175 : vector<16xf32>
      %broadcast_in_dim3A_177 = arith.constant 23 : i32
      %broadcast_in_dim3A_178 = vector.broadcast %broadcast_in_dim3A_177 : i32 to vector<16xi32>
      %gather3A_179 = tpu.vector_load_idx %arg12[%add3A_33, %broadcast_in_dim3A_178] : memref<512x32xf32, #tpu.memory_space<vmem>>[vector<16xi32>, vector<16xi32>], vector<16xf32>,
      %gather3A_180 = tpu.vector_load_idx %arg13[%add3A_33, %broadcast_in_dim3A_178] : memref<512x32xf32, #tpu.memory_space<vmem>>[vector<16xi32>, vector<16xi32>], vector<16xf32>,
      %mul3A_181 = arith.mulf %gather3A_179, %gather3A_180 : vector<16xf32>
      %add3A_182 = arith.addf %add3A_176, %mul3A_181 : vector<16xf32>
      %broadcast_in_dim3A_183 = arith.constant 24 : i32
      %broadcast_in_dim3A_184 = vector.broadcast %broadcast_in_dim3A_183 : i32 to vector<16xi32>
      %gather3A_185 = tpu.vector_load_idx %arg12[%add3A_33, %broadcast_in_dim3A_184] : memref<512x32xf32, #tpu.memory_space<vmem>>[vector<16xi32>, vector<16xi32>], vector<16xf32>,
      %gather3A_186 = tpu.vector_load_idx %arg13[%add3A_33, %broadcast_in_dim3A_184] : memref<512x32xf32, #tpu.memory_space<vmem>>[vector<16xi32>, vector<16xi32>], vector<16xf32>,
      %mul3A_187 = arith.mulf %gather3A_185, %gather3A_186 : vector<16xf32>
      %add3A_188 = arith.addf %add3A_182, %mul3A_187 : vector<16xf32>
      %broadcast_in_dim3A_189 = arith.constant 25 : i32
      %broadcast_in_dim3A_190 = vector.broadcast %broadcast_in_dim3A_189 : i32 to vector<16xi32>
      %gather3A_191 = tpu.vector_load_idx %arg12[%add3A_33, %broadcast_in_dim3A_190] : memref<512x32xf32, #tpu.memory_space<vmem>>[vector<16xi32>, vector<16xi32>], vector<16xf32>,
      %gather3A_192 = tpu.vector_load_idx %arg13[%add3A_33, %broadcast_in_dim3A_190] : memref<512x32xf32, #tpu.memory_space<vmem>>[vector<16xi32>, vector<16xi32>], vector<16xf32>,
      %mul3A_193 = arith.mulf %gather3A_191, %gather3A_192 : vector<16xf32>
      %add3A_194 = arith.addf %add3A_188, %mul3A_193 : vector<16xf32>
      %broadcast_in_dim3A_195 = arith.constant 26 : i32
      %broadcast_in_dim3A_196 = vector.broadcast %broadcast_in_dim3A_195 : i32 to vector<16xi32>
      %gather3A_197 = tpu.vector_load_idx %arg12[%add3A_33, %broadcast_in_dim3A_196] : memref<512x32xf32, #tpu.memory_space<vmem>>[vector<16xi32>, vector<16xi32>], vector<16xf32>,
      %gather3A_198 = tpu.vector_load_idx %arg13[%add3A_33, %broadcast_in_dim3A_196] : memref<512x32xf32, #tpu.memory_space<vmem>>[vector<16xi32>, vector<16xi32>], vector<16xf32>,
      %mul3A_199 = arith.mulf %gather3A_197, %gather3A_198 : vector<16xf32>
      %add3A_200 = arith.addf %add3A_194, %mul3A_199 : vector<16xf32>
      %broadcast_in_dim3A_201 = arith.constant 27 : i32
      %broadcast_in_dim3A_202 = vector.broadcast %broadcast_in_dim3A_201 : i32 to vector<16xi32>
      %gather3A_203 = tpu.vector_load_idx %arg12[%add3A_33, %broadcast_in_dim3A_202] : memref<512x32xf32, #tpu.memory_space<vmem>>[vector<16xi32>, vector<16xi32>], vector<16xf32>,
      %gather3A_204 = tpu.vector_load_idx %arg13[%add3A_33, %broadcast_in_dim3A_202] : memref<512x32xf32, #tpu.memory_space<vmem>>[vector<16xi32>, vector<16xi32>], vector<16xf32>,
      %mul3A_205 = arith.mulf %gather3A_203, %gather3A_204 : vector<16xf32>
      %add3A_206 = arith.addf %add3A_200, %mul3A_205 : vector<16xf32>
      %broadcast_in_dim3A_207 = arith.constant 28 : i32
      %broadcast_in_dim3A_208 = vector.broadcast %broadcast_in_dim3A_207 : i32 to vector<16xi32>
      %gather3A_209 = tpu.vector_load_idx %arg12[%add3A_33, %broadcast_in_dim3A_208] : memref<512x32xf32, #tpu.memory_space<vmem>>[vector<16xi32>, vector<16xi32>], vector<16xf32>,
      %gather3A_210 = tpu.vector_load_idx %arg13[%add3A_33, %broadcast_in_dim3A_208] : memref<512x32xf32, #tpu.memory_space<vmem>>[vector<16xi32>, vector<16xi32>], vector<16xf32>,
      %mul3A_211 = arith.mulf %gather3A_209, %gather3A_210 : vector<16xf32>
      %add3A_212 = arith.addf %add3A_206, %mul3A_211 : vector<16xf32>
      %broadcast_in_dim3A_213 = arith.constant 29 : i32
      %broadcast_in_dim3A_214 = vector.broadcast %broadcast_in_dim3A_213 : i32 to vector<16xi32>
      %gather3A_215 = tpu.vector_load_idx %arg12[%add3A_33, %broadcast_in_dim3A_214] : memref<512x32xf32, #tpu.memory_space<vmem>>[vector<16xi32>, vector<16xi32>], vector<16xf32>,
      %gather3A_216 = tpu.vector_load_idx %arg13[%add3A_33, %broadcast_in_dim3A_214] : memref<512x32xf32, #tpu.memory_space<vmem>>[vector<16xi32>, vector<16xi32>], vector<16xf32>,
      %mul3A_217 = arith.mulf %gather3A_215, %gather3A_216 : vector<16xf32>
      %add3A_218 = arith.addf %add3A_212, %mul3A_217 : vector<16xf32>
      %broadcast_in_dim3A_219 = arith.constant 30 : i32
      %broadcast_in_dim3A_220 = vector.broadcast %broadcast_in_dim3A_219 : i32 to vector<16xi32>
      %gather3A_221 = tpu.vector_load_idx %arg12[%add3A_33, %broadcast_in_dim3A_220] : memref<512x32xf32, #tpu.memory_space<vmem>>[vector<16xi32>, vector<16xi32>], vector<16xf32>,
      %gather3A_222 = tpu.vector_load_idx %arg13[%add3A_33, %broadcast_in_dim3A_220] : memref<512x32xf32, #tpu.memory_space<vmem>>[vector<16xi32>, vector<16xi32>], vector<16xf32>,
      %mul3A_223 = arith.mulf %gather3A_221, %gather3A_222 : vector<16xf32>
      %add3A_224 = arith.addf %add3A_218, %mul3A_223 : vector<16xf32>
      %broadcast_in_dim3A_225 = arith.constant 31 : i32
      %broadcast_in_dim3A_226 = vector.broadcast %broadcast_in_dim3A_225 : i32 to vector<16xi32>
      %gather3A_227 = tpu.vector_load_idx %arg12[%add3A_33, %broadcast_in_dim3A_226] : memref<512x32xf32, #tpu.memory_space<vmem>>[vector<16xi32>, vector<16xi32>], vector<16xf32>,
      %gather3A_228 = tpu.vector_load_idx %arg13[%add3A_33, %broadcast_in_dim3A_226] : memref<512x32xf32, #tpu.memory_space<vmem>>[vector<16xi32>, vector<16xi32>], vector<16xf32>,
      %mul3A_229 = arith.mulf %gather3A_227, %gather3A_228 : vector<16xf32>
      %add3A_230 = arith.addf %add3A_224, %mul3A_229 : vector<16xf32>
      %swap3A = arith.index_cast %mul3A_29 : i32 to index
      %swap3A_231 = tpu.vector_load %arg17[%swap3A] {strides = array<i32>} : memref<512xf32, #tpu.memory_space<vmem>>, vector<16xf32>,
      tpu.vector_store %arg17[%swap3A], %add3A_230 {strides = array<i32>} : memref<512xf32, #tpu.memory_space<vmem>>, vector<16xf32>,
    }
    %scan3A_24 = arith.constant 32 : i32
    %mul3A_25 = arith.constant 512 : i32
    %mul3A_26 = arith.muli %add3A, %mul3A_25 : i32
    "tpu.region"() ({
      %run_scoped3A = tpu.sem_alloc : memref<!tpu.dma_semaphore, #tpu.memory_space<semaphore_mem>>
      %dma_start3A_27 = tpu.memref_slice %arg9[%mul3A_26] : memref<16384xf32, #tpu.memory_space<hbm>> -> memref<512xf32, #tpu.memory_space<hbm>>
      %dma_start3A_28 = tpu.memref_slice %arg9[%mul3A_26] : memref<16384xf32, #tpu.memory_space<hbm>> -> memref<512xf32, #tpu.memory_space<hbm>>
      tpu.enqueue_dma source(%arg17 : memref<512xf32, #tpu.memory_space<vmem>>) target(%dma_start3A_28 : memref<512xf32, #tpu.memory_space<hbm>>) target_semaphore(%run_scoped3A : memref<!tpu.dma_semaphore, #tpu.memory_space<semaphore_mem>>)
      %dma_wait3A_29 = tpu.memref_slice %arg9[%mul3A_26] : memref<16384xf32, #tpu.memory_space<hbm>> -> memref<512xf32, #tpu.memory_space<hbm>>
      %dma_wait3A_30 = tpu.memref_slice %arg9[%mul3A_26] : memref<16384xf32, #tpu.memory_space<hbm>> -> memref<512xf32, #tpu.memory_space<hbm>>
      tpu.wait_dma2 semaphore(%run_scoped3A : memref<!tpu.dma_semaphore, #tpu.memory_space<semaphore_mem>>) src(%arg17 : memref<512xf32, #tpu.memory_space<vmem>>) dst(%dma_wait3A_30 : memref<512xf32, #tpu.memory_space<hbm>>)
      tpu.yield
    }) : () -> ()
    return
  }
}

</mosaic_0001>

<sc_bundles>
// kernel: _mf.3.cloned.1.call-start
scs
__scs_entry_jumppad:
0x0: {  	(pc) =	sbr.rel $0x88, $3  }
0x1: {  	(tag) =	ssettag $0x0;
	lr =	simm.s32 $0x1  }
0x2: {  	[smem:$0x3F9A] =	sst lr;
	_ =	strace $0xD0000000  }
0x3: {  	_ = 	snop  }
0x4: {  	_ = 	snop  }
0x5: {  	_ = 	snop  }
0x6: {  	_ = 	snop  }
0x7: {  	_ = 	snop  }
__scs_overlays_trampoline_lowered:
0x8: {  	[smem:$0x3FA9] =	sst s0  }
0x9: {  	[smem:$0x3FAA] =	sst s1  }
0xa: {  	[smem:$0x3FAB] =	sst s2  }
0xb: {  	[smem:$0x3FAC] =	sst s3  }
0xc: {  	[smem:$0x3FAD] =	sst s4  }
0xd: {  	[smem:$0x3FAE] =	sst s5  }
0xe: {  	[smem:$0x3FAF] =	sst s6  }
0xf: {  	[smem:$0x3FB0] =	sst s7  }
0x10: {  	[smem:$0x3FB1] =	sst s8  }
0x11: {  	[smem:$0x3FB2] =	sst s9;
	s0 =	simm.s32 @!p0 $0x0  }
0x12: {  	s1 =	sld [smem:$0x3F98];
	s0 =	simm.s32 @p0 $0x1  }
0x13: {  	[smem:$0x3FB3] =	sst s0;
	s0 =	simm.s32 @!p1 $0x0  }
0x14: {  	s2 =	sld [smem:$0x3F97];
	s0 =	simm.s32 @p1 $0x1  }
0x15: {  	[smem:$0x3FB4] =	sst s0;
	s0 =	simm.s32 @!p2 $0x0  }
0x16: {  	s3 =	sld [smem:$0x3FDB];
	s0 =	simm.s32 @p2 $0x1  }
0x17: {  	s4 =	simm.s32 $0x1BF5;
	[smem:$0x3FB6] =	sst s0  }
0x18: {  	s0 =	sld [smem:$0x3F99];
	_ =	swait.ge [sflag:s4], $0x0  }
0x19: {  	s7 =	sld [smem:$0x3F9A]  }
0x1a: {  	s8 =	sadd.s32 $0xFFFFE003, lr  }
0x1b: {  	s9 =	sadd.s32 $0xFFFFFEF7, lr;
	s5 =	simm.s32 $0xFFFFFFFF;
	p2 =	slt.u32 s8, $0xFFFFF086  }
0x1c: {  	p1 =	slt.u32 s9, $0xF7A;
	s5 =	simm.s32 @!p2 $0x0  }
0x1d: {  	s5 =	simm.s32 @p1 $0x1;
	p0 =	seq.s32 s7, s2  }
0x1e: {  	s7 =	smul.u32 @!p0 $0xF7A, s2;
	p2 =	seq.s32 @!p0 s5, $0x0  }
0x1f: {  	s9 =	smul.u32 $0xF7A, s1;
	s8 =	simm.s32 @!p0 $0x1BF5;
	p2 =	por !p2, p0  }
0x20: {  	[sflag:s8] =	ssyncset.s32 @!p0 $0xFFFFF086;
	s6 =	sadd.s32 @!p0 s3, s7;
	s7 =	simm.s32 @!p0 $0x108  }
0x21: {  	s3 =	sadd.s32 s3, s9;
	s6 =	sadd.s32 @!p0 $0x88, s6;
	s7 =	simm.s32 @p2 $0x1082  }
0x22: {  	[simem:s7], [sflag:s8] =	dma.local @!p0 [hbm:s6], $0xF7A  }
0x23: {  	s9 =	sor.u32 $0xD0000000, s2;
	s6 =	simm.s32 $0x108;
	_ =	swait.ge @!p0 [sflag:s8], $0x0  }
0x24: {  	s3 =	sadd.s32 $0x88, s3;
	s6 =	simm.s32 @!p1 $0x1082;
	[sflag:s4] =	ssyncset.s32 $0xFFFFF086  }
0x25: {  	[simem:s6], [sflag:s4] =	dma.local [hbm:s3], $0xF7A  }
0x26: {  	[smem:$0x3F9A] =	sst s1;
	(tag) =	ssettag s2;
	_ =	strace s9  }
0x27: {  	s1 =	sld [smem:$0x3FAA]  }
0x28: {  	s2 =	sld [smem:$0x3FAB]  }
0x29: {  	s4 =	sld [smem:$0x3FAD]  }
0x2a: {  	p0 =	seq.s32 s5, $0x0;
	s5 =	sld [smem:$0x3FAE]  }
0x2b: {  	s6 =	sld [smem:$0x3FAF]  }
0x2c: {  	s7 =	sld [smem:$0x3FB0]  }
0x2d: {  	s3 =	simm.s32 $0x108;
	s8 =	sld [smem:$0x3FB1]  }
0x2e: {  	s3 =	simm.s32 @!p0 $0x1082;
	s9 =	sld [smem:$0x3FB2]  }
0x2f: {  	lr =	sadd.s32 s0, s3;
	s0 =	sld [smem:$0x3FA9]  }
0x30: {  	s3 =	sld [smem:$0x3FAC]  }
0x31: {  	[smem:$0x3FB5] =	sst s10  }
0x32: {  	s10 =	sld [smem:$0x3FB3];
	_ =	sdelay $0x3  }
0x33: {  	p0 =	seq.s32 s10, $0x1;
	s10 =	sld [smem:$0x3FB5];
	_ =	sdelay $0x3  }
0x34: {  	[smem:$0x3FB5] =	sst s10  }
0x35: {  	s10 =	sld [smem:$0x3FB4];
	_ =	sdelay $0x3  }
0x36: {  	p1 =	seq.s32 s10, $0x1;
	s10 =	sld [smem:$0x3FB5];
	_ =	sdelay $0x3  }
0x37: {  	[smem:$0x3FB5] =	sst s10  }
0x38: {  	s10 =	sld [smem:$0x3FB6]  }
0x39: {  	_ = 	snop;
	(pc) =	sbr.ind lr, $3  }
0x3a: {  	_ = 	snop  }
0x3b: {  	_ = 	snop  }
0x3c: {  	p2 =	seq.s32 s10, $0x1;
	s10 =	sld [smem:$0x3FB5]  }
0x3d: {  	_ =	shalt  }
0x3e: {  	_ =	shalt  }
0x3f: {  	_ =	shalt  }
0x40: {  	_ =	shalt  }
0x41: {  	_ =	shalt  }
0x42: {  	_ =	shalt  }
0x43: {  	_ =	shalt  }
0x44: {  	_ =	shalt  }
0x45: {  	_ =	shalt  }
0x46: {  	_ =	shalt  }
0x47: {  	_ =	shalt  }
0x48: {  	_ =	shalt  }
0x49: {  	_ =	shalt  }
0x4a: {  	_ =	shalt  }
0x4b: {  	_ =	shalt  }
0x4c: {  	_ =	shalt  }
0x4d: {  	_ =	shalt  }
0x4e: {  	_ =	shalt  }
0x4f: {  	_ =	shalt  }
0x50: {  	_ =	shalt  }
0x51: {  	_ =	shalt  }
0x52: {  	_ =	shalt  }
0x53: {  	_ =	shalt  }
0x54: {  	_ =	shalt  }
0x55: {  	_ =	shalt  }
0x56: {  	_ =	shalt  }
0x57: {  	_ =	shalt  }
0x58: {  	_ =	shalt  }
0x59: {  	_ =	shalt  }
0x5a: {  	_ =	shalt  }
0x5b: {  	_ =	shalt  }
0x5c: {  	_ =	shalt  }
0x5d: {  	_ =	shalt  }
0x5e: {  	_ =	shalt  }
0x5f: {  	_ =	shalt  }
0x60: {  	_ =	shalt  }
0x61: {  	_ =	shalt  }
0x62: {  	_ =	shalt  }
0x63: {  	_ =	shalt  }
0x64: {  	_ =	shalt  }
0x65: {  	_ =	shalt  }
0x66: {  	_ =	shalt  }
0x67: {  	_ =	shalt  }
0x68: {  	_ =	shalt  }
0x69: {  	_ =	shalt  }
0x6a: {  	_ =	shalt  }
0x6b: {  	_ =	shalt  }
0x6c: {  	_ =	shalt  }
0x6d: {  	_ =	shalt  }
0x6e: {  	_ =	shalt  }
0x6f: {  	_ =	shalt  }
0x70: {  	_ =	shalt  }
0x71: {  	_ =	shalt  }
0x72: {  	_ =	shalt  }
0x73: {  	_ =	shalt  }
0x74: {  	_ =	shalt  }
0x75: {  	_ =	shalt  }
0x76: {  	_ =	shalt  }
0x77: {  	_ =	shalt  }
0x78: {  	_ =	shalt  }
0x79: {  	_ =	shalt  }
0x7a: {  	_ =	shalt  }
0x7b: {  	_ =	shalt  }
0x7c: {  	_ =	shalt  }
0x7d: {  	_ =	shalt  }
0x7e: {  	_ =	shalt  }
0x7f: {  	_ =	shalt  }
0x80: {  	_ =	shalt  }
0x81: {  	_ =	shalt  }
0x82: {  	_ =	shalt  }
0x83: {  	_ =	shalt  }
0x84: {  	_ =	shalt  }
0x85: {  	_ =	shalt  }
0x86: {  	_ =	shalt  }
0x87: {  	_ =	shalt  }
.Lfunc_end0:
.L_simem_size_0:
called_computation_lowered:
.L_overlay_start_0:
0x88: {  	s2 =	sld [smem:$0x3FD9]  }
0x89: {  	s3 =	sld [smem:$0x3FFE];
	_ =	sdelay $0x1  }
0x8a: {  	s1 =	srdreg.scid  }
0x8b: {  	s0 =	sand.u32 $0x1, s1  }
0x8c: {  	s17 =	sshll.u32 s0, $0xA;
	s2 =	sadd.s32 s3, s2  }
0x8d: {  	s2 =	sadd.s32 s2, s17  }
0x8e: {  	[smem:$0x3FC1] =	sst s2  }
0x8f: {  	_ = 	snop  }
0x90: {  	s2 =	sld [smem:$0x3FC5]  }
0x91: {  	s18 =	sld [smem:$0x3FC4]  }
0x92: {  	s4 =	sld [smem:$0x3FC3]  }
0x93: {  	s5 =	sld [smem:$0x3FD0];
	(tm) =	ssettm $0x1  }
0x94: {  	s6 =	sld [smem:$0x3FFB];
	_ =	sdelay $0x3  }
0x95: {  	_ =	strace s6  }
0x96: {  	s6 =	sld [smem:$0x3FFC];
	_ =	sdelay $0x3  }
0x97: {  	_ =	strace s6  }
0x98: {  	s6 =	sld [smem:$0x3FFD];
	_ =	sdelay $0x3  }
0x99: {  	_ =	strace s6  }
0x9a: {  	_ =	strace $0x8FFFFFFF  }
0x9b: {  	s19 =	sld [smem:$0x3FDB];
	_ =	sdelay $0x1  }
0x9c: {  	s7 =	simm.s32 $_scs_section_size  }
0x9d: {  	s8 =	simm.s32 $_size__tile_overlayer_lowered;
	s9 =	simm.s32 $_tile_overlayer_lowered  }
0x9e: {  	s22 =	simm.s32 $0x1BFF;
	s21 =	sshll.u32 s9, $0x1;
	s6 =	sadd.s32 s7, s19  }
0x9f: {  	s10 =	simm.s32 $0x0;
	s20 =	sshll.u32 s8, $0x1;
	s8 =	sadd.s32 s21, s6  }
0xa0: {  	[timem:s10], [sflag:s22] =	dma.local [hbm:s8], s20  }
0xa1: {  	_ =	swait.ge [sflag:s22], s20  }
0xa2: {  	s7 =	ssub.s32 $0x0, s20;
	[sflag:s22] =	ssyncset.done $0x0  }
0xa3: {  	[sflag:s22] =	ssyncadd.s32 s7;
	_ =	sdelay $0x1  }
0xa4: {  	s23 =	simm.s32 $0x1B8B  }
0xa5: {  	_ =	swait.ge [sflag:s23], $0x1  }
0xa6: {  	[sflag:s23] =	ssyncset.done $0x0  }
0xa7: {  	s25 =	simm.s32 $0x1B8E;
	s24 =	sld [smem:$0x3FFE];
	[sflag:s23] =	ssyncadd.s32 $0xFFFFFFFF  }
0xa8: {  	s26 =	simm.s32 $execute0_lowered;
	[smem:$0x3FD2] =	sst s25  }
0xa9: {  	s8 =	sshll.u32 s26, $0x1;
	_ =	strace $0x80000046;
	[dreg:$0x1] =	wrdreg $0xFFFFFFFF  }
0xaa: {  	s28 =	simm.s32 $_size_execute0_lowered;
	s6 =	sadd.s32 s6, s8;
	[dreg:$0x0] =	wrdreg $0x0  }
0xab: {  	s8 =	sshll.u32 s28, $0x1;
	[dreg:$0x2] =	wrdreg s6  }
0xac: {  	[dreg:$0x3] =	wrdreg s8  }
0xad: {  	[dreg:$0x4] =	wrdreg $0xC0  }
0xae: {  	_ =	task [dreg:s10], $0x5FFFF  }
0xaf: {  	[dreg:$0x1] =	wrdreg $0xFFFFFFFF  }
0xb0: {  	[dreg:$0x0] =	wrdreg $0x60  }
0xb1: {  	[dreg:$0x2] =	wrdreg s24  }
0xb2: {  	[dreg:$0x3] =	wrdreg s2  }
0xb3: {  	[dreg:$0x4] =	wrdreg s18  }
0xb4: {  	[dreg:$0x5] =	wrdreg s4  }
0xb5: {  	[dreg:$0x6] =	wrdreg s5  }
0xb6: {  	[dreg:$0x7] =	wrdreg $0x9  }
0xb7: {  	_ =	task.clear_ibuf [dreg:s10], $0x8FFFF;
	_ =	strace $0x90000046  }
0xb8: {  	s29 =	simm.s32 $0x9;
	_ =	strace $0x80000048  }
0xb9: {  	_ =	swait.ge [sflag:s29], $0x1  }
0xba: {  	[sflag:s29] =	ssyncadd.s32 $0xFFFFFFFF  }
0xbb: {  	_ =	strace $0x90000048  }
0xbc: {  	_ =	sfence  }
0xbd: {  	s30 =	sld [smem:$0x0];
	_ =	sdelay $0x2  }
0xbe: {  	s31 =	sshll.u32 s1, $0xD;
	s1 =	sshrl.u32 s1, $0x2  }
0xbf: {  	s3 =	sand.u32 $0x4000, s31;
	s1 =	sadd.s32 s1, s30  }
0xc0: {  	s0 =	sor.u32 s3, s0;
	s1 =	sshll.u32 s1, $0x11  }
0xc1: {  	s0 =	sor.u32 s1, s0  }
0xc2: {  	s0 =	sadd.s32 $0x8F2B, s0  }
0xc3: {  	[sflag:s0] =	ssyncadd.remote.s32 $0x1  }
0xc4: {  	_ =	sfence.sel $0xFFFF  }
0xc5: {  	[dreg:$0x0] =	wrdreg $0xFFFFFFFF;
	(pc) =	sbr.abs _section_cstart, $3  }
0xc6: {  	[dreg:$0x1] =	wrdreg $0xFFFFFFFF  }
0xc7: {  	_ =	task.clear_ibuf [dreg:s10], $0x2FFFF;
	_ =	strace $0x9FFFFFFF  }
0xc8: {  	(tm) =	ssettm $0x7FFFFFFF  }
0xc9: {  	_ =	shalt  }
tec
execute0_lowered:
.L_overlay_start_1:
0x0: {  	(tag) =	ssettag $0x1  }
0x1: {  	s7 =	rddreg [dreg:$0x0]  }
0x2: {  	s1 =	rddreg [dreg:$0x1]  }
0x3: {  	s2 =	rddreg [dreg:$0x2]  }
0x4: {  	s4 =	rddreg [dreg:$0x3]  }
0x5: {  	s10 =	rddreg [dreg:$0x4];
	s5 =	srdreg.scid  }
0x6: {  	s0 =	rddreg [dreg:$0x5];
	s3 =	stileid.u32;
	s13 =	simm.s32 $0x200  }
0x7: {  	s14 =	simm.s32 $0x8800;
	s15 =	simm.s32 $0x400;
	s16 =	simm.s32 $0x4400  }
0x8: {  	s17 =	simm.s32 $0x1;
	s18 =	simm.s32 $0x8810;
	s19 =	simm.s32 $0x0  }
0x9: {  	s6 =	sand.u32 $0x1, s5;
	s5 =	simm.s32 $0x0;
	s8 =	sshll.u32 s3, $0x7  }
0xa: {  	s9 =	sshll.u32 s6, $0x6;
	[smem:$0x7FF] =	sst s5;
	s31 =	ssub.s32 $0x2, s6  }
0xb: {  	s6 =	sadd.s32 $0x1313600, s7;
	s11 =	sor.u32 s9, s8;
	_ =	strace $0x80000047  }
0xc: {  	s12 =	sshrl.u32 s31, $0x1;
	s9 =	sadd.s32 s11, s7;
	s7 =	sadd.s32 $0xF42C00, s7  }
0xd: {  	v0 =	vlaneseq.u32;
	s12 =	ssub.s32 s31, s12;
	s10 =	sadd.s32 s10, s11;
	s8 =	sadd.s32 $0x1000, s9  }
0xe: {  	v0 =	vmul.u32 $0x20, v0;
	s9 =	sadd.s32 $0x800, s9;
	s11 =	smax.u32 s12, $0x1;
	s12 =	simm.s32 $0x2  }
.LBB2_1:
0xf: {  	[tilespmem:s5], [sflag:$0x2] =	stream.linear.gather [hbm4b:s8+s5], $0x200, $0x38;
	[tilespmem:$0x8A10] =	vst v63  }
0x10: {  	_ =	swait.ge [sflag:s12], $0x200  }
0x11: {  	[sflag:s12] =	ssyncset.done $0x0  }
0x12: {  	[sflag:s12] =	ssyncadd.s32 $0xFFFFFE00  }
0x13: {  	[tilespmem:s13], [sflag:$0x2] =	stream.linear.gather [hbm4b:s9+s5], $0x200, $0x38;
	[tilespmem:$0x8A10] =	vst v63  }
0x14: {  	_ =	swait.ge [sflag:s12], $0x200  }
0x15: {  	[sflag:s12] =	ssyncset.done $0x0  }
0x16: {  	[sflag:s12] =	ssyncadd.s32 $0xFFFFFE00  }
0x17: {  	[tilespmem:s14], [sflag:$0x2] =	stream.linear.gather [hbm4b:s4+s5], $0x1, $0x38;
	[tilespmem:$0x8A10] =	vst v63  }
0x18: {  	_ =	swait.ge [sflag:s12], $0x1  }
0x19: {  	[sflag:s12] =	ssyncset.done $0x0  }
0x1a: {  	[sflag:s12] =	ssyncadd.s32 $0xFFFFFFFF  }
0x1b: {  	[tilespmem:s15], [sflag:$0x1] =	stream.indirect.gather [hbm4b:s6+s13], $0x20, s5, s13, $0xb8;
	[tilespmem:$0x8A10] =	vst v63  }
0x1c: {  	_ = 	snop  }
0x1d: {  	[tilespmem:s16], [sflag:$0x1] =	stream.indirect.gather [hbm4b:s7+s13], $0x20, s13, s13, $0xb8;
	[tilespmem:$0x8A10] =	vst v63  }
0x1e: {  	s20 =	simm.s32 $0x8400  }
0x1f: {  	[tilespmem:s20], [sflag:$0x1] =	stream.indirect.gather [hbm4b:s1+s13], $0x1, s5, s13, $0xb8;
	[tilespmem:$0x8A10] =	vst v63  }
0x20: {  	s21 =	simm.s32 $0x8600  }
0x21: {  	[tilespmem:s21], [sflag:$0x1] =	stream.indirect.gather [hbm4b:s2+s13], $0x1, s13, s13, $0xb8;
	[tilespmem:$0x8A10] =	vst v63  }
0x22: {  	_ =	swait.ge [sflag:s17], $0x4000  }
0x23: {  	[sflag:s17] =	ssyncset.done $0x0  }
0x24: {  	[sflag:s17] =	ssyncadd.s32 $0xFFFFC000  }
0x25: {  	_ =	swait.ge [sflag:s17], $0x4000  }
0x26: {  	[sflag:s17] =	ssyncset.done $0x0  }
0x27: {  	[sflag:s17] =	ssyncadd.s32 $0xFFFFC000  }
0x28: {  	_ =	swait.ge [sflag:s17], $0x200  }
0x29: {  	[sflag:s17] =	ssyncset.done $0x0  }
0x2a: {  	v1 =	vmov s5;
	[sflag:s17] =	ssyncadd.s32 $0xFFFFFE00  }
0x2b: {  	v1 =	vshll.u32 v1, $0x5;
	_ =	swait.ge [sflag:s17], $0x200  }
0x2c: {  	v2 =	vor.u32 v0, v1;
	[sflag:s17] =	ssyncset.done $0x0  }
0x2d: {  	[sflag:s17] =	ssyncadd.s32 $0xFFFFFE00  }
0x2e: {  	v3 =	vor.u32 $0x1, v2;
	v1 =	vld.msk [tilespmem:$0x8800 ss:$0x0], $0xffff  }
0x2f: {  	v4 =	vld [tilespmem:s21+$0x0]  }
0x30: {  	v5 =	vor.u32 $0x2, v2;
	v6 =	vld [tilespmem:s20+$0x0]  }
0x31: {  	v7 =	vld.idx.msk [tilespmem:v2+s15+$0x0], $0xffff  }
0x32: {  	v9 =	vor.u32 $0x3, v2;
	v8 =	vld.idx.msk [tilespmem:v2+s16+$0x0], $0xffff  }
0x33: {  	v10 =	vld.idx.msk [tilespmem:v3+s15+$0x0], $0xffff  }
0x34: {  	v11 =	vor.u32 $0x4, v2;
	v3 =	vld.idx.msk [tilespmem:v3+s16+$0x0], $0xffff  }
0x35: {  	v12 =	vld.idx.msk [tilespmem:v5+s15+$0x0], $0xffff;
	v4 =	vadd.f32 v4, v6  }
0x36: {  	v5 =	vld.idx.msk [tilespmem:v5+s16+$0x0], $0xffff;
	v6 =	vor.u32 $0x5, v2  }
0x37: {  	v13 =	vld.idx.msk [tilespmem:v9+s15+$0x0], $0xffff;
	v7 =	vmul.f32 v8, v7;
	v4 =	vadd.f32 v4, v1  }
0x38: {  	v48 =	vor.u32 $0x6, v2;
	v47 =	vld.idx.msk [tilespmem:v9+s16+$0x0], $0xffff  }
0x39: {  	v14 =	vld.idx.msk [tilespmem:v11+s15+$0x0], $0xffff;
	v3 =	vmul.f32 v3, v10;
	v4 =	vadd.f32 v7, v4  }
0x3a: {  	v49 =	vor.u32 $0x7, v2;
	v7 =	vld.idx.msk [tilespmem:v11+s16+$0x0], $0xffff  }
0x3b: {  	v50 =	vld.idx.msk [tilespmem:v6+s15+$0x0], $0xffff;
	v3 =	vadd.f32 v3, v4;
	v4 =	vmul.f32 v5, v12  }
0x3c: {  	v5 =	vld.idx.msk [tilespmem:v6+s16+$0x0], $0xffff;
	v6 =	vor.u32 $0x8, v2  }
0x3d: {  	v51 =	vld.idx.msk [tilespmem:v48+s15+$0x0], $0xffff;
	v3 =	vadd.f32 v4, v3;
	v4 =	vmul.f32 v47, v13  }
0x3e: {  	v53 =	vor.u32 $0x9, v2;
	v52 =	vld.idx.msk [tilespmem:v48+s16+$0x0], $0xffff  }
0x3f: {  	v54 =	vld.idx.msk [tilespmem:v49+s15+$0x0], $0xffff;
	v3 =	vadd.f32 v4, v3;
	v4 =	vmul.f32 v7, v14  }
0x40: {  	v55 =	vor.u32 $0xA, v2;
	v7 =	vld.idx.msk [tilespmem:v49+s16+$0x0], $0xffff  }
0x41: {  	v56 =	vld.idx.msk [tilespmem:v6+s15+$0x0], $0xffff;
	v3 =	vadd.f32 v4, v3;
	v4 =	vmul.f32 v5, v50  }
0x42: {  	v5 =	vld.idx.msk [tilespmem:v6+s16+$0x0], $0xffff;
	v6 =	vor.u32 $0xB, v2  }
0x43: {  	v57 =	vld.idx.msk [tilespmem:v53+s15+$0x0], $0xffff;
	v3 =	vadd.f32 v4, v3;
	v4 =	vmul.f32 v52, v51  }
0x44: {  	v59 =	vor.u32 $0xC, v2;
	v58 =	vld.idx.msk [tilespmem:v53+s16+$0x0], $0xffff  }
0x45: {  	v60 =	vld.idx.msk [tilespmem:v55+s15+$0x0], $0xffff;
	v3 =	vadd.f32 v4, v3;
	v4 =	vmul.f32 v7, v54  }
0x46: {  	v61 =	vor.u32 $0xD, v2;
	v7 =	vld.idx.msk [tilespmem:v55+s16+$0x0], $0xffff  }
0x47: {  	v62 =	vld.idx.msk [tilespmem:v6+s15+$0x0], $0xffff;
	v3 =	vadd.f32 v4, v3;
	v4 =	vmul.f32 v5, v56  }
0x48: {  	v5 =	vld.idx.msk [tilespmem:v6+s16+$0x0], $0xffff;
	v6 =	vor.u32 $0xE, v2  }
0x49: {  	v63 =	vld.idx.msk [tilespmem:v59+s15+$0x0], $0xffff;
	v3 =	vadd.f32 v4, v3;
	v4 =	vmul.f32 v58, v57  }
0x4a: {  	v17 =	vor.u32 $0xF, v2;
	v16 =	vld.idx.msk [tilespmem:v59+s16+$0x0], $0xffff  }
0x4b: {  	v18 =	vld.idx.msk [tilespmem:v61+s15+$0x0], $0xffff;
	v3 =	vadd.f32 v4, v3;
	v4 =	vmul.f32 v7, v60  }
0x4c: {  	v19 =	vor.u32 $0x10, v2;
	v7 =	vld.idx.msk [tilespmem:v61+s16+$0x0], $0xffff  }
0x4d: {  	v20 =	vld.idx.msk [tilespmem:v6+s15+$0x0], $0xffff;
	v3 =	vadd.f32 v4, v3;
	v4 =	vmul.f32 v5, v62  }
0x4e: {  	v5 =	vld.idx.msk [tilespmem:v6+s16+$0x0], $0xffff;
	v6 =	vor.u32 $0x11, v2  }
0x4f: {  	v21 =	vld.idx.msk [tilespmem:v17+s15+$0x0], $0xffff;
	v3 =	vadd.f32 v4, v3;
	v4 =	vmul.f32 v16, v63  }
0x50: {  	v23 =	vor.u32 $0x12, v2;
	v22 =	vld.idx.msk [tilespmem:v17+s16+$0x0], $0xffff  }
0x51: {  	v24 =	vld.idx.msk [tilespmem:v19+s15+$0x0], $0xffff;
	v3 =	vadd.f32 v4, v3;
	v4 =	vmul.f32 v7, v18  }
0x52: {  	v25 =	vor.u32 $0x13, v2;
	v7 =	vld.idx.msk [tilespmem:v19+s16+$0x0], $0xffff  }
0x53: {  	v26 =	vld.idx.msk [tilespmem:v6+s15+$0x0], $0xffff;
	v3 =	vadd.f32 v4, v3;
	v4 =	vmul.f32 v5, v20  }
0x54: {  	v5 =	vld.idx.msk [tilespmem:v6+s16+$0x0], $0xffff;
	v6 =	vor.u32 $0x14, v2  }
0x55: {  	v27 =	vld.idx.msk [tilespmem:v23+s15+$0x0], $0xffff;
	v3 =	vadd.f32 v4, v3;
	v4 =	vmul.f32 v22, v21  }
0x56: {  	v29 =	vor.u32 $0x15, v2;
	v28 =	vld.idx.msk [tilespmem:v23+s16+$0x0], $0xffff  }
0x57: {  	v30 =	vld.idx.msk [tilespmem:v25+s15+$0x0], $0xffff;
	v3 =	vadd.f32 v4, v3;
	v4 =	vmul.f32 v7, v24  }
0x58: {  	v31 =	vor.u32 $0x16, v2;
	v7 =	vld.idx.msk [tilespmem:v25+s16+$0x0], $0xffff  }
0x59: {  	v32 =	vld.idx.msk [tilespmem:v6+s15+$0x0], $0xffff;
	v3 =	vadd.f32 v4, v3;
	v4 =	vmul.f32 v5, v26  }
0x5a: {  	v5 =	vld.idx.msk [tilespmem:v6+s16+$0x0], $0xffff;
	v6 =	vor.u32 $0x17, v2  }
0x5b: {  	v33 =	vld.idx.msk [tilespmem:v29+s15+$0x0], $0xffff;
	v3 =	vadd.f32 v4, v3;
	v4 =	vmul.f32 v28, v27  }
0x5c: {  	v35 =	vor.u32 $0x18, v2;
	v34 =	vld.idx.msk [tilespmem:v29+s16+$0x0], $0xffff  }
0x5d: {  	v36 =	vld.idx.msk [tilespmem:v31+s15+$0x0], $0xffff;
	v3 =	vadd.f32 v4, v3;
	v4 =	vmul.f32 v7, v30  }
0x5e: {  	v37 =	vor.u32 $0x19, v2;
	v7 =	vld.idx.msk [tilespmem:v31+s16+$0x0], $0xffff  }
0x5f: {  	v38 =	vld.idx.msk [tilespmem:v6+s15+$0x0], $0xffff;
	v3 =	vadd.f32 v4, v3;
	v4 =	vmul.f32 v5, v32  }
0x60: {  	v5 =	vld.idx.msk [tilespmem:v6+s16+$0x0], $0xffff;
	v6 =	vor.u32 $0x1A, v2  }
0x61: {  	v39 =	vld.idx.msk [tilespmem:v35+s15+$0x0], $0xffff;
	v3 =	vadd.f32 v4, v3;
	v4 =	vmul.f32 v34, v33  }
0x62: {  	v41 =	vor.u32 $0x1B, v2;
	v40 =	vld.idx.msk [tilespmem:v35+s16+$0x0], $0xffff  }
0x63: {  	v42 =	vld.idx.msk [tilespmem:v37+s15+$0x0], $0xffff;
	v3 =	vadd.f32 v4, v3;
	v4 =	vmul.f32 v7, v36  }
0x64: {  	v43 =	vor.u32 $0x1C, v2;
	v7 =	vld.idx.msk [tilespmem:v37+s16+$0x0], $0xffff  }
0x65: {  	v44 =	vld.idx.msk [tilespmem:v6+s15+$0x0], $0xffff;
	v3 =	vadd.f32 v4, v3;
	v4 =	vmul.f32 v5, v38  }
0x66: {  	v5 =	vld.idx.msk [tilespmem:v6+s16+$0x0], $0xffff;
	v6 =	vor.u32 $0x1D, v2  }
0x67: {  	v45 =	vld.idx.msk [tilespmem:v41+s15+$0x0], $0xffff;
	v3 =	vadd.f32 v4, v3;
	v4 =	vmul.f32 v40, v39  }
0x68: {  	v46 =	vld.idx.msk [tilespmem:v41+s16+$0x0], $0xffff;
	v47 =	vor.u32 $0x1E, v2  }
0x69: {  	v48 =	vld.idx.msk [tilespmem:v43+s15+$0x0], $0xffff;
	v3 =	vadd.f32 v4, v3;
	v4 =	vmul.f32 v7, v42  }
0x6a: {  	v2 =	vor.u32 $0x1F, v2;
	v7 =	vld.idx.msk [tilespmem:v43+s16+$0x0], $0xffff  }
0x6b: {  	v49 =	vld.idx.msk [tilespmem:v6+s15+$0x0], $0xffff;
	v3 =	vadd.f32 v4, v3;
	v4 =	vmul.f32 v5, v44  }
0x6c: {  	v5 =	vld.idx.msk [tilespmem:v6+s16+$0x0], $0xffff  }
0x6d: {  	v50 =	vld.idx.msk [tilespmem:v47+s16+$0x0], $0xffff;
	v3 =	vadd.f32 v4, v3;
	v4 =	vmul.f32 v46, v45  }
0x6e: {  	v6 =	vld.idx.msk [tilespmem:v47+s15+$0x0], $0xffff  }
0x6f: {  	v51 =	vld.idx.msk [tilespmem:v2+s15+$0x0], $0xffff;
	v3 =	vadd.f32 v4, v3;
	v4 =	vmul.f32 v7, v48  }
0x70: {  	v2 =	vld.idx.msk [tilespmem:v2+s16+$0x0], $0xffff  }
0x71: {  	v3 =	vadd.f32 v4, v3;
	v4 =	vmul.f32 v5, v49;
	_ =	sdelay $0x1  }
0x72: {  	v3 =	vadd.f32 v4, v3;
	v4 =	vmul.f32 v50, v6  }
0x73: {  	s31 =	simm.s32 $0x10  }
0x74: {  	v5 =	vmov s31;
	v3 =	vadd.f32 v4, v3;
	v4 =	vmul.f32 v2, v51  }
0x75: {  	v2 =	vshll.u32 v5, $0x5  }
0x76: {  	v2 =	vor.u32 v0, v2;
	v3 =	vadd.f32 v4, v3;
	_ =	sdelay $0x1  }
0x77: {  	s20 =	simm.s32 $0x8610;
	v4 =	vor.u32 $0x1, v2;
	[tilespmem:s18+$0x0] =	vst v3  }
0x78: {  	s21 =	simm.s32 $0x8410;
	v3 =	vld [tilespmem:s20+$0x0]  }
0x79: {  	v5 =	vor.u32 $0x2, v2;
	v6 =	vld [tilespmem:s21+$0x0]  }
0x7a: {  	v7 =	vld.idx.msk [tilespmem:v2+s15+$0x0], $0xffff  }
0x7b: {  	v53 =	vor.u32 $0x3, v2;
	v52 =	vld.idx.msk [tilespmem:v2+s16+$0x0], $0xffff  }
0x7c: {  	v54 =	vld.idx.msk [tilespmem:v4+s15+$0x0], $0xffff  }
0x7d: {  	v55 =	vor.u32 $0x4, v2;
	v4 =	vld.idx.msk [tilespmem:v4+s16+$0x0], $0xffff  }
0x7e: {  	v56 =	vld.idx.msk [tilespmem:v5+s15+$0x0], $0xffff;
	v3 =	vadd.f32 v3, v6  }
0x7f: {  	v5 =	vld.idx.msk [tilespmem:v5+s16+$0x0], $0xffff;
	v6 =	vor.u32 $0x5, v2  }
0x80: {  	v57 =	vld.idx.msk [tilespmem:v53+s15+$0x0], $0xffff;
	v7 =	vmul.f32 v52, v7;
	v3 =	vadd.f32 v3, v1  }
0x81: {  	v59 =	vor.u32 $0x6, v2;
	v58 =	vld.idx.msk [tilespmem:v53+s16+$0x0], $0xffff  }
0x82: {  	v60 =	vld.idx.msk [tilespmem:v55+s15+$0x0], $0xffff;
	v4 =	vmul.f32 v4, v54;
	v3 =	vadd.f32 v7, v3  }
0x83: {  	v61 =	vor.u32 $0x7, v2;
	v7 =	vld.idx.msk [tilespmem:v55+s16+$0x0], $0xffff  }
0x84: {  	v62 =	vld.idx.msk [tilespmem:v6+s15+$0x0], $0xffff;
	v3 =	vadd.f32 v4, v3;
	v4 =	vmul.f32 v5, v56  }
0x85: {  	v5 =	vld.idx.msk [tilespmem:v6+s16+$0x0], $0xffff;
	v6 =	vor.u32 $0x8, v2  }
0x86: {  	v63 =	vld.idx.msk [tilespmem:v59+s15+$0x0], $0xffff;
	v3 =	vadd.f32 v4, v3;
	v4 =	vmul.f32 v58, v57  }
0x87: {  	v17 =	vor.u32 $0x9, v2;
	v16 =	vld.idx.msk [tilespmem:v59+s16+$0x0], $0xffff  }
0x88: {  	v18 =	vld.idx.msk [tilespmem:v61+s15+$0x0], $0xffff;
	v3 =	vadd.f32 v4, v3;
	v4 =	vmul.f32 v7, v60  }
0x89: {  	v19 =	vor.u32 $0xA, v2;
	v7 =	vld.idx.msk [tilespmem:v61+s16+$0x0], $0xffff  }
0x8a: {  	v20 =	vld.idx.msk [tilespmem:v6+s15+$0x0], $0xffff;
	v3 =	vadd.f32 v4, v3;
	v4 =	vmul.f32 v5, v62  }
0x8b: {  	v5 =	vld.idx.msk [tilespmem:v6+s16+$0x0], $0xffff;
	v6 =	vor.u32 $0xB, v2  }
0x8c: {  	v21 =	vld.idx.msk [tilespmem:v17+s15+$0x0], $0xffff;
	v3 =	vadd.f32 v4, v3;
	v4 =	vmul.f32 v16, v63  }
0x8d: {  	v23 =	vor.u32 $0xC, v2;
	v22 =	vld.idx.msk [tilespmem:v17+s16+$0x0], $0xffff  }
0x8e: {  	v24 =	vld.idx.msk [tilespmem:v19+s15+$0x0], $0xffff;
	v3 =	vadd.f32 v4, v3;
	v4 =	vmul.f32 v7, v18  }
0x8f: {  	v25 =	vor.u32 $0xD, v2;
	v7 =	vld.idx.msk [tilespmem:v19+s16+$0x0], $0xffff  }
0x90: {  	v26 =	vld.idx.msk [tilespmem:v6+s15+$0x0], $0xffff;
	v3 =	vadd.f32 v4, v3;
	v4 =	vmul.f32 v5, v20  }
0x91: {  	v5 =	vld.idx.msk [tilespmem:v6+s16+$0x0], $0xffff;
	v6 =	vor.u32 $0xE, v2  }
0x92: {  	v27 =	vld.idx.msk [tilespmem:v23+s15+$0x0], $0xffff;
	v3 =	vadd.f32 v4, v3;
	v4 =	vmul.f32 v22, v21  }
0x93: {  	v29 =	vor.u32 $0xF, v2;
	v28 =	vld.idx.msk [tilespmem:v23+s16+$0x0], $0xffff  }
0x94: {  	v30 =	vld.idx.msk [tilespmem:v25+s15+$0x0], $0xffff;
	v3 =	vadd.f32 v4, v3;
	v4 =	vmul.f32 v7, v24  }
0x95: {  	v31 =	vor.u32 $0x10, v2;
	v7 =	vld.idx.msk [tilespmem:v25+s16+$0x0], $0xffff  }
0x96: {  	v32 =	vld.idx.msk [tilespmem:v6+s15+$0x0], $0xffff;
	v3 =	vadd.f32 v4, v3;
	v4 =	vmul.f32 v5, v26  }
0x97: {  	v5 =	vld.idx.msk [tilespmem:v6+s16+$0x0], $0xffff;
	v6 =	vor.u32 $0x11, v2  }
0x98: {  	v33 =	vld.idx.msk [tilespmem:v29+s15+$0x0], $0xffff;
	v3 =	vadd.f32 v4, v3;
	v4 =	vmul.f32 v28, v27  }
0x99: {  	v35 =	vor.u32 $0x12, v2;
	v34 =	vld.idx.msk [tilespmem:v29+s16+$0x0], $0xffff  }
0x9a: {  	v36 =	vld.idx.msk [tilespmem:v31+s15+$0x0], $0xffff;
	v3 =	vadd.f32 v4, v3;
	v4 =	vmul.f32 v7, v30  }
0x9b: {  	v37 =	vor.u32 $0x13, v2;
	v7 =	vld.idx.msk [tilespmem:v31+s16+$0x0], $0xffff  }
0x9c: {  	v38 =	vld.idx.msk [tilespmem:v6+s15+$0x0], $0xffff;
	v3 =	vadd.f32 v4, v3;
	v4 =	vmul.f32 v5, v32  }
0x9d: {  	v5 =	vld.idx.msk [tilespmem:v6+s16+$0x0], $0xffff;
	v6 =	vor.u32 $0x14, v2  }
0x9e: {  	v39 =	vld.idx.msk [tilespmem:v35+s15+$0x0], $0xffff;
	v3 =	vadd.f32 v4, v3;
	v4 =	vmul.f32 v34, v33  }
0x9f: {  	v41 =	vor.u32 $0x15, v2;
	v40 =	vld.idx.msk [tilespmem:v35+s16+$0x0], $0xffff  }
0xa0: {  	v42 =	vld.idx.msk [tilespmem:v37+s15+$0x0], $0xffff;
	v3 =	vadd.f32 v4, v3;
	v4 =	vmul.f32 v7, v36  }
0xa1: {  	v43 =	vor.u32 $0x16, v2;
	v7 =	vld.idx.msk [tilespmem:v37+s16+$0x0], $0xffff  }
0xa2: {  	v44 =	vld.idx.msk [tilespmem:v6+s15+$0x0], $0xffff;
	v3 =	vadd.f32 v4, v3;
	v4 =	vmul.f32 v5, v38  }
0xa3: {  	v5 =	vld.idx.msk [tilespmem:v6+s16+$0x0], $0xffff;
	v6 =	vor.u32 $0x17, v2  }
0xa4: {  	v45 =	vld.idx.msk [tilespmem:v41+s15+$0x0], $0xffff;
	v3 =	vadd.f32 v4, v3;
	v4 =	vmul.f32 v40, v39  }
0xa5: {  	v47 =	vor.u32 $0x18, v2;
	v46 =	vld.idx.msk [tilespmem:v41+s16+$0x0], $0xffff  }
0xa6: {  	v48 =	vld.idx.msk [tilespmem:v43+s15+$0x0], $0xffff;
	v3 =	vadd.f32 v4, v3;
	v4 =	vmul.f32 v7, v42  }
0xa7: {  	v49 =	vor.u32 $0x19, v2;
	v7 =	vld.idx.msk [tilespmem:v43+s16+$0x0], $0xffff  }
0xa8: {  	v50 =	vld.idx.msk [tilespmem:v6+s15+$0x0], $0xffff;
	v3 =	vadd.f32 v4, v3;
	v4 =	vmul.f32 v5, v44  }
0xa9: {  	v5 =	vld.idx.msk [tilespmem:v6+s16+$0x0], $0xffff;
	v6 =	vor.u32 $0x1A, v2  }
0xaa: {  	v51 =	vld.idx.msk [tilespmem:v47+s15+$0x0], $0xffff;
	v3 =	vadd.f32 v4, v3;
	v4 =	vmul.f32 v46, v45  }
0xab: {  	v53 =	vor.u32 $0x1B, v2;
	v52 =	vld.idx.msk [tilespmem:v47+s16+$0x0], $0xffff  }
0xac: {  	v54 =	vld.idx.msk [tilespmem:v49+s15+$0x0], $0xffff;
	v3 =	vadd.f32 v4, v3;
	v4 =	vmul.f32 v7, v48  }
0xad: {  	v55 =	vor.u32 $0x1C, v2;
	v7 =	vld.idx.msk [tilespmem:v49+s16+$0x0], $0xffff  }
0xae: {  	v56 =	vld.idx.msk [tilespmem:v6+s15+$0x0], $0xffff;
	v3 =	vadd.f32 v4, v3;
	v4 =	vmul.f32 v5, v50  }
0xaf: {  	v5 =	vld.idx.msk [tilespmem:v6+s16+$0x0], $0xffff;
	v6 =	vor.u32 $0x1D, v2  }
0xb0: {  	v57 =	vld.idx.msk [tilespmem:v53+s15+$0x0], $0xffff;
	v3 =	vadd.f32 v4, v3;
	v4 =	vmul.f32 v52, v51  }
0xb1: {  	v59 =	vor.u32 $0x1E, v2;
	v58 =	vld.idx.msk [tilespmem:v53+s16+$0x0], $0xffff  }
0xb2: {  	v60 =	vld.idx.msk [tilespmem:v55+s15+$0x0], $0xffff;
	v3 =	vadd.f32 v4, v3;
	v4 =	vmul.f32 v7, v54  }
0xb3: {  	v2 =	vor.u32 $0x1F, v2;
	v7 =	vld.idx.msk [tilespmem:v55+s16+$0x0], $0xffff  }
0xb4: {  	v61 =	vld.idx.msk [tilespmem:v6+s15+$0x0], $0xffff;
	v3 =	vadd.f32 v4, v3;
	v4 =	vmul.f32 v5, v56  }
0xb5: {  	v5 =	vld.idx.msk [tilespmem:v6+s16+$0x0], $0xffff  }
0xb6: {  	v62 =	vld.idx.msk [tilespmem:v59+s16+$0x0], $0xffff;
	v3 =	vadd.f32 v4, v3;
	v4 =	vmul.f32 v58, v57  }
0xb7: {  	v6 =	vld.idx.msk [tilespmem:v59+s15+$0x0], $0xffff  }
0xb8: {  	v63 =	vld.idx.msk [tilespmem:v2+s15+$0x0], $0xffff;
	v3 =	vadd.f32 v4, v3;
	v4 =	vmul.f32 v7, v60  }
0xb9: {  	v7 =	vld.idx.msk [tilespmem:v2+s16+$0x0], $0xffff  }
0xba: {  	v2 =	vadd.f32 v4, v3;
	v3 =	vmul.f32 v5, v61;
	_ =	sdelay $0x1  }
0xbb: {  	s22 =	simm.s32 $0x20;
	v5 =	vmul.f32 v62, v6;
	v3 =	vadd.f32 v3, v2  }
0xbc: {  	v4 =	vmov s22  }
0xbd: {  	v2 =	vshll.u32 v4, $0x5;
	v4 =	vmul.f32 v7, v63;
	v3 =	vadd.f32 v5, v3  }
0xbe: {  	s23 =	simm.s32 $0x30;
	s22 =	simm.s32 $0x8810;
	v2 =	vor.u32 v0, v2  }
.LBB2_2:
0xbf: {  	p0 =	sne.s32 s23, $0x1F0;
	v3 =	vadd.f32 v4, v3  }
0xc0: {  	s22 =	sadd.s32 $0x10, s22  }
0xc1: {  	v4 =	vor.u32 $0x1, v2;
	[tilespmem:s22+$0x0] =	vst v3  }
0xc2: {  	s20 =	sadd.s32 $0x10, s20;
	v3 =	vld.idx.msk [tilespmem:v2+s15+$0x0], $0xffff  }
0xc3: {  	v6 =	vor.u32 $0x2, v2;
	s21 =	sadd.s32 $0x10, s21;
	v5 =	vld [tilespmem:s20+$0x0]  }
0xc4: {  	v7 =	vld [tilespmem:s21+$0x0]  }
0xc5: {  	v9 =	vor.u32 $0x3, v2;
	v8 =	vld.idx.msk [tilespmem:v2+s16+$0x0], $0xffff  }
0xc6: {  	v10 =	vld.idx.msk [tilespmem:v4+s15+$0x0], $0xffff  }
0xc7: {  	v11 =	vor.u32 $0x4, v2;
	v4 =	vld.idx.msk [tilespmem:v4+s16+$0x0], $0xffff  }
0xc8: {  	v12 =	vld.idx.msk [tilespmem:v6+s15+$0x0], $0xffff  }
0xc9: {  	v5 =	vadd.f32 v5, v7;
	v6 =	vld.idx.msk [tilespmem:v6+s16+$0x0], $0xffff;
	v7 =	vor.u32 $0x5, v2  }
0xca: {  	v13 =	vld.idx.msk [tilespmem:v9+s15+$0x0], $0xffff  }
0xcb: {  	v3 =	vmul.f32 v8, v3;
	v5 =	vadd.f32 v5, v1;
	v8 =	vld.idx.msk [tilespmem:v9+s16+$0x0], $0xffff;
	v9 =	vor.u32 $0x6, v2  }
0xcc: {  	v14 =	vld.idx.msk [tilespmem:v11+s15+$0x0], $0xffff  }
0xcd: {  	v4 =	vmul.f32 v4, v10;
	v10 =	vor.u32 $0x7, v2;
	v3 =	vadd.f32 v3, v5;
	v5 =	vld.idx.msk [tilespmem:v11+s16+$0x0], $0xffff  }
0xce: {  	v11 =	vld.idx.msk [tilespmem:v7+s15+$0x0], $0xffff  }
0xcf: {  	v3 =	vadd.f32 v4, v3;
	v4 =	vmul.f32 v6, v12;
	v6 =	vld.idx.msk [tilespmem:v7+s16+$0x0], $0xffff;
	v7 =	vor.u32 $0x8, v2  }
0xd0: {  	v12 =	vld.idx.msk [tilespmem:v9+s15+$0x0], $0xffff  }
0xd1: {  	v3 =	vadd.f32 v4, v3;
	v4 =	vmul.f32 v8, v13;
	v8 =	vld.idx.msk [tilespmem:v9+s16+$0x0], $0xffff;
	v9 =	vor.u32 $0x9, v2  }
0xd2: {  	v13 =	vld.idx.msk [tilespmem:v10+s15+$0x0], $0xffff  }
0xd3: {  	v3 =	vadd.f32 v4, v3;
	v4 =	vmul.f32 v5, v14;
	v5 =	vld.idx.msk [tilespmem:v10+s16+$0x0], $0xffff;
	v10 =	vor.u32 $0xA, v2  }
0xd4: {  	v14 =	vld.idx.msk [tilespmem:v7+s15+$0x0], $0xffff  }
0xd5: {  	v3 =	vadd.f32 v4, v3;
	v4 =	vmul.f32 v6, v11;
	v6 =	vld.idx.msk [tilespmem:v7+s16+$0x0], $0xffff;
	v7 =	vor.u32 $0xB, v2  }
0xd6: {  	v11 =	vld.idx.msk [tilespmem:v9+s15+$0x0], $0xffff  }
0xd7: {  	v3 =	vadd.f32 v4, v3;
	v4 =	vmul.f32 v8, v12;
	v8 =	vld.idx.msk [tilespmem:v9+s16+$0x0], $0xffff;
	v9 =	vor.u32 $0xC, v2  }
0xd8: {  	v12 =	vld.idx.msk [tilespmem:v10+s15+$0x0], $0xffff  }
0xd9: {  	v3 =	vadd.f32 v4, v3;
	v4 =	vmul.f32 v5, v13;
	v5 =	vld.idx.msk [tilespmem:v10+s16+$0x0], $0xffff;
	v10 =	vor.u32 $0xD, v2  }
0xda: {  	v13 =	vld.idx.msk [tilespmem:v7+s15+$0x0], $0xffff  }
0xdb: {  	v3 =	vadd.f32 v4, v3;
	v4 =	vmul.f32 v6, v14;
	v6 =	vld.idx.msk [tilespmem:v7+s16+$0x0], $0xffff;
	v7 =	vor.u32 $0xE, v2  }
0xdc: {  	v14 =	vld.idx.msk [tilespmem:v9+s15+$0x0], $0xffff  }
0xdd: {  	v3 =	vadd.f32 v4, v3;
	v4 =	vmul.f32 v8, v11;
	v8 =	vld.idx.msk [tilespmem:v9+s16+$0x0], $0xffff;
	v9 =	vor.u32 $0xF, v2  }
0xde: {  	v11 =	vld.idx.msk [tilespmem:v10+s15+$0x0], $0xffff  }
0xdf: {  	v3 =	vadd.f32 v4, v3;
	v4 =	vmul.f32 v5, v12;
	v5 =	vld.idx.msk [tilespmem:v10+s16+$0x0], $0xffff;
	v10 =	vor.u32 $0x10, v2  }
0xe0: {  	v12 =	vld.idx.msk [tilespmem:v7+s15+$0x0], $0xffff  }
0xe1: {  	v3 =	vadd.f32 v4, v3;
	v4 =	vmul.f32 v6, v13;
	v6 =	vld.idx.msk [tilespmem:v7+s16+$0x0], $0xffff;
	v7 =	vor.u32 $0x11, v2  }
0xe2: {  	v13 =	vld.idx.msk [tilespmem:v9+s15+$0x0], $0xffff  }
0xe3: {  	v3 =	vadd.f32 v4, v3;
	v4 =	vmul.f32 v8, v14;
	v8 =	vld.idx.msk [tilespmem:v9+s16+$0x0], $0xffff;
	v9 =	vor.u32 $0x12, v2  }
0xe4: {  	v14 =	vld.idx.msk [tilespmem:v10+s15+$0x0], $0xffff  }
0xe5: {  	v3 =	vadd.f32 v4, v3;
	v4 =	vmul.f32 v5, v11;
	v5 =	vld.idx.msk [tilespmem:v10+s16+$0x0], $0xffff;
	v10 =	vor.u32 $0x13, v2  }
0xe6: {  	v11 =	vld.idx.msk [tilespmem:v7+s15+$0x0], $0xffff  }
0xe7: {  	v3 =	vadd.f32 v4, v3;
	v4 =	vmul.f32 v6, v12;
	v6 =	vld.idx.msk [tilespmem:v7+s16+$0x0], $0xffff;
	v7 =	vor.u32 $0x14, v2  }
0xe8: {  	v12 =	vld.idx.msk [tilespmem:v9+s15+$0x0], $0xffff  }
0xe9: {  	v3 =	vadd.f32 v4, v3;
	v4 =	vmul.f32 v8, v13;
	v8 =	vld.idx.msk [tilespmem:v9+s16+$0x0], $0xffff;
	v9 =	vor.u32 $0x15, v2  }
0xea: {  	v13 =	vld.idx.msk [tilespmem:v10+s15+$0x0], $0xffff  }
0xeb: {  	v3 =	vadd.f32 v4, v3;
	v4 =	vmul.f32 v5, v14;
	v5 =	vld.idx.msk [tilespmem:v10+s16+$0x0], $0xffff;
	v10 =	vor.u32 $0x16, v2  }
0xec: {  	v14 =	vld.idx.msk [tilespmem:v7+s15+$0x0], $0xffff  }
0xed: {  	v3 =	vadd.f32 v4, v3;
	v4 =	vmul.f32 v6, v11;
	v6 =	vld.idx.msk [tilespmem:v7+s16+$0x0], $0xffff;
	v7 =	vor.u32 $0x17, v2  }
0xee: {  	v11 =	vld.idx.msk [tilespmem:v9+s15+$0x0], $0xffff  }
0xef: {  	v3 =	vadd.f32 v4, v3;
	v4 =	vmul.f32 v8, v12;
	v8 =	vld.idx.msk [tilespmem:v9+s16+$0x0], $0xffff;
	v9 =	vor.u32 $0x18, v2  }
0xf0: {  	v12 =	vld.idx.msk [tilespmem:v10+s15+$0x0], $0xffff  }
0xf1: {  	v3 =	vadd.f32 v4, v3;
	v4 =	vmul.f32 v5, v13;
	v5 =	vld.idx.msk [tilespmem:v10+s16+$0x0], $0xffff;
	v10 =	vor.u32 $0x19, v2  }
0xf2: {  	v13 =	vld.idx.msk [tilespmem:v7+s15+$0x0], $0xffff  }
0xf3: {  	v3 =	vadd.f32 v4, v3;
	v4 =	vmul.f32 v6, v14;
	v6 =	vld.idx.msk [tilespmem:v7+s16+$0x0], $0xffff;
	v7 =	vor.u32 $0x1A, v2  }
0xf4: {  	v14 =	vld.idx.msk [tilespmem:v9+s15+$0x0], $0xffff  }
0xf5: {  	v3 =	vadd.f32 v4, v3;
	v4 =	vmul.f32 v8, v11;
	v8 =	vld.idx.msk [tilespmem:v9+s16+$0x0], $0xffff;
	v9 =	vor.u32 $0x1B, v2  }
0xf6: {  	v11 =	vld.idx.msk [tilespmem:v10+s15+$0x0], $0xffff  }
0xf7: {  	v3 =	vadd.f32 v4, v3;
	v4 =	vmul.f32 v5, v12;
	v5 =	vld.idx.msk [tilespmem:v10+s16+$0x0], $0xffff;
	v10 =	vor.u32 $0x1C, v2  }
0xf8: {  	v12 =	vld.idx.msk [tilespmem:v7+s15+$0x0], $0xffff  }
0xf9: {  	v3 =	vadd.f32 v4, v3;
	v4 =	vmul.f32 v6, v13;
	v6 =	vld.idx.msk [tilespmem:v7+s16+$0x0], $0xffff;
	v7 =	vor.u32 $0x1D, v2  }
0xfa: {  	v13 =	vld.idx.msk [tilespmem:v9+s15+$0x0], $0xffff  }
0xfb: {  	v3 =	vadd.f32 v4, v3;
	v4 =	vmul.f32 v8, v14;
	v8 =	vld.idx.msk [tilespmem:v9+s16+$0x0], $0xffff;
	v9 =	vor.u32 $0x1E, v2  }
0xfc: {  	v14 =	vld.idx.msk [tilespmem:v10+s15+$0x0], $0xffff  }
0xfd: {  	v2 =	vor.u32 $0x1F, v2;
	v3 =	vadd.f32 v4, v3;
	v4 =	vmul.f32 v5, v11;
	v5 =	vld.idx.msk [tilespmem:v10+s16+$0x0], $0xffff  }
0xfe: {  	v10 =	vld.idx.msk [tilespmem:v7+s15+$0x0], $0xffff  }
0xff: {  	v3 =	vadd.f32 v4, v3;
	v4 =	vmul.f32 v6, v12;
	v6 =	vld.idx.msk [tilespmem:v7+s16+$0x0], $0xffff  }
0x100: {  	v7 =	vld.idx.msk [tilespmem:v9+s15+$0x0], $0xffff  }
0x101: {  	v3 =	vadd.f32 v4, v3;
	v4 =	vmul.f32 v8, v13;
	v8 =	vld.idx.msk [tilespmem:v9+s16+$0x0], $0xffff  }
0x102: {  	v9 =	vld.idx.msk [tilespmem:v2+s15+$0x0], $0xffff  }
0x103: {  	v3 =	vadd.f32 v4, v3;
	v4 =	vmul.f32 v5, v14;
	v5 =	vld.idx.msk [tilespmem:v2+s16+$0x0], $0xffff;
	_ =	sdelay $0x1  }
0x104: {  	v2 =	vadd.f32 v4, v3;
	v3 =	vmul.f32 v6, v10  }
.Ltmp0:
0x105: {  	(pc) =	sbr.rel @p0 .LBB2_2-.Ltmp0, $4  }
0x106: {  	v4 =	vmov s23;
	v6 =	vmul.f32 v8, v7;
	v3 =	vadd.f32 v3, v2  }
0x107: {  	v2 =	vshll.u32 v4, $0x5  }
0x108: {  	v2 =	vor.u32 v0, v2;
	v4 =	vmul.f32 v5, v9;
	v3 =	vadd.f32 v6, v3  }
0x109: {  	s23 =	sadd.s32 $0x10, s23  }
0x10a: {  	v3 =	vadd.f32 v4, v3  }
0x10b: {  	s22 =	sadd.s32 $0x10, s22  }
0x10c: {  	v29 =	vor.u32 $0x1, v2;
	s20 =	sadd.s32 $0x10, s20;
	[tilespmem:s22+$0x0] =	vst v3  }
0x10d: {  	s30 =	sadd.s32 $0x10, s21;
	v3 =	vld [tilespmem:s20+$0x0]  }
0x10e: {  	v5 =	vor.u32 $0x2, v2;
	v6 =	vld [tilespmem:s30+$0x0]  }
0x10f: {  	v7 =	vld.idx.msk [tilespmem:v2+s15+$0x0], $0xffff  }
0x110: {  	v9 =	vor.u32 $0x3, v2;
	v8 =	vld.idx.msk [tilespmem:v2+s16+$0x0], $0xffff  }
0x111: {  	v10 =	vld.idx.msk [tilespmem:v29+s15+$0x0], $0xffff  }
0x112: {  	v11 =	vor.u32 $0x4, v2;
	v4 =	vld.idx.msk [tilespmem:v29+s16+$0x0], $0xffff  }
0x113: {  	v12 =	vld.idx.msk [tilespmem:v5+s15+$0x0], $0xffff;
	v3 =	vadd.f32 v3, v6  }
0x114: {  	v30 =	vor.u32 $0x5, v2;
	v5 =	vld.idx.msk [tilespmem:v5+s16+$0x0], $0xffff  }
0x115: {  	v13 =	vld.idx.msk [tilespmem:v9+s15+$0x0], $0xffff;
	v1 =	vadd.f32 v3, v1;
	v3 =	vmul.f32 v8, v7  }
0x116: {  	v32 =	vor.u32 $0x6, v2;
	v31 =	vld.idx.msk [tilespmem:v9+s16+$0x0], $0xffff  }
0x117: {  	v33 =	vld.idx.msk [tilespmem:v11+s15+$0x0], $0xffff;
	v1 =	vadd.f32 v3, v1;
	v3 =	vmul.f32 v4, v10  }
0x118: {  	v35 =	vor.u32 $0x7, v2;
	v34 =	vld.idx.msk [tilespmem:v11+s16+$0x0], $0xffff  }
0x119: {  	v36 =	vld.idx.msk [tilespmem:v30+s15+$0x0], $0xffff;
	v1 =	vadd.f32 v3, v1;
	v3 =	vmul.f32 v5, v12  }
0x11a: {  	v38 =	vor.u32 $0x8, v2;
	v37 =	vld.idx.msk [tilespmem:v30+s16+$0x0], $0xffff  }
0x11b: {  	v39 =	vld.idx.msk [tilespmem:v32+s15+$0x0], $0xffff;
	v1 =	vadd.f32 v3, v1;
	v3 =	vmul.f32 v31, v13  }
0x11c: {  	v41 =	vor.u32 $0x9, v2;
	v40 =	vld.idx.msk [tilespmem:v32+s16+$0x0], $0xffff  }
0x11d: {  	v42 =	vld.idx.msk [tilespmem:v35+s15+$0x0], $0xffff;
	v1 =	vadd.f32 v3, v1;
	v3 =	vmul.f32 v34, v33  }
0x11e: {  	v44 =	vor.u32 $0xA, v2;
	v43 =	vld.idx.msk [tilespmem:v35+s16+$0x0], $0xffff  }
0x11f: {  	v45 =	vld.idx.msk [tilespmem:v38+s15+$0x0], $0xffff;
	v1 =	vadd.f32 v3, v1;
	v3 =	vmul.f32 v37, v36  }
0x120: {  	v47 =	vor.u32 $0xB, v2;
	v46 =	vld.idx.msk [tilespmem:v38+s16+$0x0], $0xffff  }
0x121: {  	v48 =	vld.idx.msk [tilespmem:v41+s15+$0x0], $0xffff;
	v1 =	vadd.f32 v3, v1;
	v3 =	vmul.f32 v40, v39  }
0x122: {  	v50 =	vor.u32 $0xC, v2;
	v49 =	vld.idx.msk [tilespmem:v41+s16+$0x0], $0xffff  }
0x123: {  	v51 =	vld.idx.msk [tilespmem:v44+s15+$0x0], $0xffff;
	v1 =	vadd.f32 v3, v1;
	v3 =	vmul.f32 v43, v42  }
0x124: {  	v53 =	vor.u32 $0xD, v2;
	v52 =	vld.idx.msk [tilespmem:v44+s16+$0x0], $0xffff  }
0x125: {  	v54 =	vld.idx.msk [tilespmem:v47+s15+$0x0], $0xffff;
	v1 =	vadd.f32 v3, v1;
	v3 =	vmul.f32 v46, v45  }
0x126: {  	v56 =	vor.u32 $0xE, v2;
	v55 =	vld.idx.msk [tilespmem:v47+s16+$0x0], $0xffff  }
0x127: {  	v57 =	vld.idx.msk [tilespmem:v50+s15+$0x0], $0xffff;
	v1 =	vadd.f32 v3, v1;
	v3 =	vmul.f32 v49, v48  }
0x128: {  	v59 =	vor.u32 $0xF, v2;
	v58 =	vld.idx.msk [tilespmem:v50+s16+$0x0], $0xffff  }
0x129: {  	v60 =	vld.idx.msk [tilespmem:v53+s15+$0x0], $0xffff;
	v1 =	vadd.f32 v3, v1;
	v3 =	vmul.f32 v52, v51  }
0x12a: {  	v62 =	vor.u32 $0x10, v2;
	v61 =	vld.idx.msk [tilespmem:v53+s16+$0x0], $0xffff  }
0x12b: {  	v63 =	vld.idx.msk [tilespmem:v56+s15+$0x0], $0xffff;
	v1 =	vadd.f32 v3, v1;
	v3 =	vmul.f32 v55, v54  }
0x12c: {  	v17 =	vor.u32 $0x11, v2;
	v16 =	vld.idx.msk [tilespmem:v56+s16+$0x0], $0xffff  }
0x12d: {  	v18 =	vld.idx.msk [tilespmem:v59+s15+$0x0], $0xffff;
	v1 =	vadd.f32 v3, v1;
	v3 =	vmul.f32 v58, v57  }
0x12e: {  	v20 =	vor.u32 $0x12, v2;
	v19 =	vld.idx.msk [tilespmem:v59+s16+$0x0], $0xffff  }
0x12f: {  	v21 =	vld.idx.msk [tilespmem:v62+s15+$0x0], $0xffff;
	v1 =	vadd.f32 v3, v1;
	v3 =	vmul.f32 v61, v60  }
0x130: {  	v23 =	vor.u32 $0x13, v2;
	v22 =	vld.idx.msk [tilespmem:v62+s16+$0x0], $0xffff  }
0x131: {  	v24 =	vld.idx.msk [tilespmem:v17+s15+$0x0], $0xffff;
	v1 =	vadd.f32 v3, v1;
	v3 =	vmul.f32 v16, v63  }
0x132: {  	v26 =	vor.u32 $0x14, v2;
	v25 =	vld.idx.msk [tilespmem:v17+s16+$0x0], $0xffff  }
0x133: {  	v27 =	vld.idx.msk [tilespmem:v20+s15+$0x0], $0xffff;
	v1 =	vadd.f32 v3, v1;
	v3 =	vmul.f32 v19, v18  }
0x134: {  	v28 =	vld.idx.msk [tilespmem:v20+s16+$0x0], $0xffff;
	v29 =	vor.u32 $0x15, v2  }
0x135: {  	v30 =	vld.idx.msk [tilespmem:v23+s15+$0x0], $0xffff;
	v1 =	vadd.f32 v3, v1;
	v3 =	vmul.f32 v22, v21  }
0x136: {  	v32 =	vor.u32 $0x16, v2;
	v31 =	vld.idx.msk [tilespmem:v23+s16+$0x0], $0xffff  }
0x137: {  	v33 =	vld.idx.msk [tilespmem:v26+s15+$0x0], $0xffff;
	v1 =	vadd.f32 v3, v1;
	v3 =	vmul.f32 v25, v24  }
0x138: {  	v35 =	vor.u32 $0x17, v2;
	v34 =	vld.idx.msk [tilespmem:v26+s16+$0x0], $0xffff  }
0x139: {  	v36 =	vld.idx.msk [tilespmem:v29+s15+$0x0], $0xffff;
	v1 =	vadd.f32 v3, v1;
	v3 =	vmul.f32 v28, v27  }
0x13a: {  	v38 =	vor.u32 $0x18, v2;
	v37 =	vld.idx.msk [tilespmem:v29+s16+$0x0], $0xffff  }
0x13b: {  	v39 =	vld.idx.msk [tilespmem:v32+s15+$0x0], $0xffff;
	v1 =	vadd.f32 v3, v1;
	v3 =	vmul.f32 v31, v30  }
0x13c: {  	v41 =	vor.u32 $0x19, v2;
	v40 =	vld.idx.msk [tilespmem:v32+s16+$0x0], $0xffff  }
0x13d: {  	v42 =	vld.idx.msk [tilespmem:v35+s15+$0x0], $0xffff;
	v1 =	vadd.f32 v3, v1;
	v3 =	vmul.f32 v34, v33  }
0x13e: {  	v44 =	vor.u32 $0x1A, v2;
	v43 =	vld.idx.msk [tilespmem:v35+s16+$0x0], $0xffff  }
0x13f: {  	v45 =	vld.idx.msk [tilespmem:v38+s15+$0x0], $0xffff;
	v1 =	vadd.f32 v3, v1;
	v3 =	vmul.f32 v37, v36  }
0x140: {  	v47 =	vor.u32 $0x1B, v2;
	v46 =	vld.idx.msk [tilespmem:v38+s16+$0x0], $0xffff  }
0x141: {  	v48 =	vld.idx.msk [tilespmem:v41+s15+$0x0], $0xffff;
	v1 =	vadd.f32 v3, v1;
	v3 =	vmul.f32 v40, v39  }
0x142: {  	v50 =	vor.u32 $0x1C, v2;
	v49 =	vld.idx.msk [tilespmem:v41+s16+$0x0], $0xffff  }
0x143: {  	v51 =	vld.idx.msk [tilespmem:v44+s15+$0x0], $0xffff;
	v1 =	vadd.f32 v3, v1;
	v3 =	vmul.f32 v43, v42  }
0x144: {  	v53 =	vor.u32 $0x1D, v2;
	v52 =	vld.idx.msk [tilespmem:v44+s16+$0x0], $0xffff  }
0x145: {  	v54 =	vld.idx.msk [tilespmem:v47+s15+$0x0], $0xffff;
	v1 =	vadd.f32 v3, v1;
	v3 =	vmul.f32 v46, v45  }
0x146: {  	v56 =	vor.u32 $0x1E, v2;
	v55 =	vld.idx.msk [tilespmem:v47+s16+$0x0], $0xffff  }
0x147: {  	v57 =	vld.idx.msk [tilespmem:v50+s15+$0x0], $0xffff;
	v1 =	vadd.f32 v3, v1;
	v3 =	vmul.f32 v49, v48  }
0x148: {  	v2 =	vor.u32 $0x1F, v2;
	v58 =	vld.idx.msk [tilespmem:v50+s16+$0x0], $0xffff  }
0x149: {  	v59 =	vld.idx.msk [tilespmem:v53+s15+$0x0], $0xffff;
	v1 =	vadd.f32 v3, v1;
	v3 =	vmul.f32 v52, v51  }
0x14a: {  	v60 =	vld.idx.msk [tilespmem:v53+s16+$0x0], $0xffff  }
0x14b: {  	v62 =	vld.idx.msk [tilespmem:v56+s16+$0x0], $0xffff;
	v1 =	vadd.f32 v3, v1;
	v3 =	vmul.f32 v55, v54  }
0x14c: {  	v61 =	vld.idx.msk [tilespmem:v56+s15+$0x0], $0xffff  }
0x14d: {  	v63 =	vld.idx.msk [tilespmem:v2+s15+$0x0], $0xffff;
	v1 =	vadd.f32 v3, v1;
	v3 =	vmul.f32 v58, v57  }
0x14e: {  	v2 =	vld.idx.msk [tilespmem:v2+s16+$0x0], $0xffff  }
0x14f: {  	v1 =	vadd.f32 v3, v1;
	v3 =	vmul.f32 v60, v59;
	_ =	sdelay $0x1  }
0x150: {  	v1 =	vadd.f32 v3, v1;
	v3 =	vmul.f32 v62, v61;
	_ =	sdelay $0x1  }
0x151: {  	v2 =	vmul.f32 v2, v63;
	v1 =	vadd.f32 v3, v1;
	_ =	sdelay $0x1  }
0x152: {  	s19 =	sadd.s32 $0x1, s19;
	v1 =	vadd.f32 v2, v1  }
0x153: {  	s31 =	sadd.s32 $0x10, s22;
	p0 =	sne.s32 s19, s11  }
.Ltmp1:
0x154: {  	[tilespmem:s31+$0x0] =	vst v1;
	(pc) =	sbr.rel @p0 .LBB2_1-.Ltmp1, $4  }
0x155: {  	[hbm4b:s10+s5] =	stream.linear.scatter [tilespmem:s18], [sflag:$0x2], $0x200, $0x38;
	[tilespmem:$0x8A10] =	vst v63  }
0x156: {  	_ =	swait.ge [sflag:s12], $0x200  }
0x157: {  	[sflag:s12] =	ssyncset.done $0x0  }
0x158: {  	[sflag:s12] =	ssyncadd.s32 $0xFFFFFE00  }
0x159: {  	_ =	sfence.sel $0x180000  }
0x15a: {  	[bflag:$0x0] =	sbarrier.arrive $0xFFFF  }
0x15b: {  	p0 =	sne.s32 s3, $0x0;
	_ =	strace $0x90000047  }
0x15c: {  	s0 =	sadd.s32 @!p0 $0x100000, s0;
	[bflag:$0x2] =	sbarrier.arrive $0xFFFF  }
0x15d: {  	[sflag:s0] =	ssyncadd.tile.s32 @!p0 $0x1;
	_ =	shalt  }
.Lfunc_end2:
_tile_overlayer_lowered:
.L_overlay_start_2:
0x15e: {  	(tag) =	ssettag $0x2  }
0x15f: {  	s0 =	rddreg [dreg:$0x0];
	s2 =	stileid.u32  }
0x160: {  	s1 =	rddreg [dreg:$0x1];
	p0 =	sne.s32 s2, $0x0  }
0x161: {  	s3 =	rddreg [dreg:$0x2];
	[bflag:$0x3] =	sbarrier.arrive $0xFFFF;
	s2 =	simm.s32 @!p0 $0x1C02  }
0x162: {  	[timem:s3], [sflag:s2] =	dma.local @!p0 [hbm:s0], s1  }
0x163: {  	s0 =	simm.s32 @!p0 $0x2  }
0x164: {  	_ =	swait.ge @!p0 [sflag:s0], s1  }
0x165: {  	s1 =	ssub.s32 @!p0 $0x0, s1;
	[sflag:s0] =	ssyncset.done @!p0 $0x0  }
0x166: {  	[sflag:s0] =	ssyncadd.s32 @!p0 s1  }
0x167: {  	[bflag:$0x3] =	sbarrier.arrive $0xFFFF  }
0x168: {  	_ =	shalt  }

</sc_bundles>
